<compile_context>
chip_gen: v7x
topology: tpu7x:2x2x1
jax: 0.10.2.dev20260603
libtpu: 0.0.44.dev20260713+nightly
codegen_flags: <defaults>
</compile_context>

<pallas_src>
import functools

import jax
import jax.numpy as jnp
from jax import lax
from jax.experimental import pallas as pl
from jax.experimental.pallas import tpu as pltpu
from jax.experimental.pallas import tpu_sc as plsc

N_NODES = 10000
N_EDGES = 320000
HIDDEN = 128

NC = 2
NS = 16
NW = NC * NS
EPW = N_EDGES // NW
K = 80
CC = EPW // K
EPP = CC * K
NP = 10240
RPT = NP // NS
HR = NP // HIDDEN
HRP = 128

_mesh = plsc.VectorSubcoreMesh(core_axis_name="c", subcore_axis_name="s")


def _fill_f32(ref, rows, cols, value):
    vecs = cols // 16

    def body(i, carry):
        r = i // vecs
        k = i % vecs
        ref[r, pl.ds(k * 16, 16)] = jnp.full((16,), value, jnp.float32)
        return carry

    lax.fori_loop(0, rows * vecs, body, 0)


@functools.partial(
    pl.kernel,
    out_type=jax.ShapeDtypeStruct((NC, HRP, HIDDEN), jnp.float32),
    mesh=_mesh,
    scratch_types=[
        pltpu.VMEM((EPW,), jnp.int32),
        pltpu.VMEM((HR, HIDDEN), jnp.float32),
        pltpu.VMEM((HR,), jnp.int32),
        pltpu.VMEM_SHARED((HRP, HIDDEN), jnp.float32),
    ],
    compiler_params=pltpu.CompilerParams(needs_layout_passes=False,
                                         disable_bounds_checks=True),
)
def _deg_kernel(dst_hbm, out_hbm, dst_v, hist_v, iota_v, acc_sh):
    c = lax.axis_index("c")
    s = lax.axis_index("s")
    w = c * NS + s

    pltpu.sync_copy(dst_hbm.at[w], dst_v)

    iota16 = lax.iota(jnp.int32, 16)
    zeros16 = jnp.zeros((16,), jnp.float32)
    ones16 = jnp.full((16,), 1.0, jnp.float32)

    def zbody(i, carry):
        flat = iota16 + i * 16
        plsc.store_scatter(hist_v, [flat >> 7, flat & 127], zeros16)
        return carry

    lax.fori_loop(0, NP // 16, zbody, 0)

    def ibody(q, carry):
        iota_v[pl.ds(q * 16, 16)] = iota16 + q * 16
        return carry

    lax.fori_loop(0, HR // 16, ibody, 0)

    pltpu.sync_copy(hist_v.at[pl.ds(0, HRP // NS)],
                    acc_sh.at[pl.ds(s * (HRP // NS), HRP // NS)])

    def body(i, carry):
        d = dst_v[pl.ds(i * 16, 16)]
        plsc.addupdate_scatter(hist_v, [d >> 7, d & 127], ones16)
        return carry

    lax.fori_loop(0, EPW // 16, body, 0)
    plsc.subcore_barrier()

    pltpu.sync_copy(hist_v, acc_sh.at[iota_v], add=True)
    plsc.subcore_barrier()

    pltpu.sync_copy(acc_sh.at[pl.ds(s * (HRP // NS), HRP // NS)],
                    out_hbm.at[c, pl.ds(s * (HRP // NS), HRP // NS)])


@functools.partial(
    pl.kernel,
    out_type=jax.ShapeDtypeStruct((NC, NP, HIDDEN), jnp.float32),
    mesh=_mesh,
    scratch_types=[
        pltpu.VMEM((CC, K), jnp.int32),
        pltpu.VMEM((CC, K), jnp.int32),
        pltpu.VMEM((K, HIDDEN), jnp.float32),
        pltpu.VMEM_SHARED((NP, HIDDEN), jnp.float32),
    ],
    compiler_params=pltpu.CompilerParams(disable_bounds_checks=True),
)
def _scatter_kernel(g_hbm, src_hbm, dst_hbm, out_hbm,
                    src_v, dst_v, rows_v, acc_sh):
    c = lax.axis_index("c")
    s = lax.axis_index("s")
    w = c * NS + s

    pltpu.sync_copy(src_hbm.at[w], src_v)
    pltpu.sync_copy(dst_hbm.at[w], dst_v)

    _fill_f32(rows_v, K, HIDDEN, 0.0)
    for q in range(RPT // K):
        pltpu.sync_copy(rows_v, acc_sh.at[pl.ds(s * RPT + q * K, K)])
    plsc.subcore_barrier()

    def body(j, carry):
        pltpu.sync_copy(g_hbm.at[src_v.at[j]], rows_v)
        pltpu.sync_copy(rows_v, acc_sh.at[dst_v.at[j]], add=True)
        return carry

    lax.fori_loop(0, CC, body, 0)
    plsc.subcore_barrier()

    pltpu.sync_copy(acc_sh.at[pl.ds(s * RPT, RPT)],
                    out_hbm.at[c, pl.ds(s * RPT, RPT)])


def _dinv_t(deg_ref):
    degs = deg_ref[...]
    deg = degs[0] + degs[1] + 1.0
    return jnp.transpose(lax.rsqrt(deg))


def _tc1_body(x_ref, w_ref, deg_ref, g_ref):
    dt = _dinv_t(deg_ref)
    h = jnp.dot(x_ref[...], w_ref[...], preferred_element_type=jnp.float32)
    for q in range(dt.shape[1]):
        r = q * HIDDEN
        g_ref[r:r + HIDDEN, :] = h[r:r + HIDDEN, :] * dt[:, q:q + 1]


def _tc1(x, W, deg_p):
    blk = 1024
    grid = NP // blk
    db = blk // HIDDEN
    return pl.pallas_call(
        _tc1_body,
        grid=(grid,),
        in_specs=[
            pl.BlockSpec((blk, HIDDEN), lambda i: (i, 0)),
            pl.BlockSpec((HIDDEN, HIDDEN), lambda i: (0, 0)),
            pl.BlockSpec((NC, db, HIDDEN), lambda i: (0, i, 0)),
        ],
        out_specs=pl.BlockSpec((blk, HIDDEN), lambda i: (i, 0)),
        out_shape=jax.ShapeDtypeStruct((NP, HIDDEN), jnp.float32),
    )(x, W, deg_p)


def _tc2_body(acc_ref, g_ref, deg_ref, b_ref, o_ref):
    dt = _dinv_t(deg_ref)
    s = acc_ref[0] + acc_ref[1] + g_ref[...]
    bias = b_ref[...][None, :]
    for q in range(dt.shape[1]):
        r = q * HIDDEN
        o_ref[r:r + HIDDEN, :] = s[r:r + HIDDEN, :] * dt[:, q:q + 1] + bias


def _tc2(acc_p, g, deg_p, b):
    blk = 1024
    grid = NP // blk
    db = blk // HIDDEN
    return pl.pallas_call(
        _tc2_body,
        grid=(grid,),
        in_specs=[
            pl.BlockSpec((NC, blk, HIDDEN), lambda i: (0, i, 0)),
            pl.BlockSpec((blk, HIDDEN), lambda i: (i, 0)),
            pl.BlockSpec((NC, db, HIDDEN), lambda i: (0, i, 0)),
            pl.BlockSpec((HIDDEN,), lambda i: (0,)),
        ],
        out_specs=pl.BlockSpec((blk, HIDDEN), lambda i: (i, 0)),
        out_shape=jax.ShapeDtypeStruct((N_NODES, HIDDEN), jnp.float32),
    )(acc_p, g, deg_p, b)


def kernel(x, edge_index, W, b):
    ei = edge_index.astype(jnp.int32)
    src = jnp.concatenate(
        [ei[0].reshape(NW, EPW),
         jnp.zeros((NW, EPP - EPW), jnp.int32)], axis=1).reshape(NW, CC, K)
    dst = jnp.concatenate(
        [ei[1].reshape(NW, EPW),
         jnp.full((NW, EPP - EPW), N_NODES, jnp.int32)], axis=1
    ).reshape(NW, CC, K)
    deg_p = _deg_kernel(ei[1].reshape(NW, EPW))
    g = _tc1(x, W, deg_p)
    acc_p = _scatter_kernel(g, src, dst)
    return _tc2(acc_p, g, deg_p, b)

# --- scband reference (transcript-rebuilt; emitter-appended) ---
"""Pipeline reference for scband-gcnlayer-13529146982751 (READ-ONLY COPY).

The authoritative reference and input builder live on the scoring server;
editing this copy changes nothing except your own understanding.
"""

import jax, jax.numpy as jnp
import numpy as np

N_NODES = 10000
N_EDGES = 320000
HIDDEN = 128

def setup_inputs(seed: int = 0) -> dict:
    key = jax.random.key(seed)
    k1, k2, k3, k4 = jax.random.split(key, 4)
    x = jax.random.normal(k1, (N_NODES, HIDDEN), dtype=jnp.float32)
    edge_index = jax.random.randint(k2, (2, N_EDGES), 0, N_NODES, dtype=jnp.int64)
    # GCNConv learned params (glorot weight, zero bias as in PyG defaults)
    limit = jnp.sqrt(6.0 / (HIDDEN + HIDDEN))
    W = jax.random.uniform(k3, (HIDDEN, HIDDEN), dtype=jnp.float32, minval=-limit, maxval=limit)
    b = jnp.zeros((HIDDEN,), dtype=jnp.float32)
    return {"x": x, "edge_index": edge_index, "W": W, "b": b}

def reference(x, edge_index, W, b):
    # Faithful PyG GCNConv: add self-loops, symmetric normalization, linear transform, sum aggregation.
    N = x.shape[0]
    loop = jnp.arange(N, dtype=edge_index.dtype)
    src = jnp.concatenate([edge_index[0], loop])
    dst = jnp.concatenate([edge_index[1], loop])
    # degree computed on dst (col) with unit edge weights, after self-loops
    ones = jnp.ones(src.shape[0], dtype=x.dtype)
    deg = jax.ops.segment_sum(ones, dst, num_segments=N)
    deg_inv_sqrt = jnp.where(deg > 0, jax.lax.rsqrt(deg), 0.0)
    norm = deg_inv_sqrt[src] * deg_inv_sqrt[dst]
    h = x @ W
    msgs = h[src] * norm[:, None]
    out = jax.ops.segment_sum(msgs, dst, num_segments=N)
    out = out + b
    return out

if __name__ == "__main__":
    import jax
    _d = setup_inputs()
    print(jax.jit(kernel)(*tuple(_d.values())))

</pallas_src>

<mosaic_0001>
#map = affine_map<(d0, d1) -> (0, 0)>
#map1 = affine_map<(d0, d1) -> (0, 0, 0)>
module attributes {stable_mosaic.version = 14 : i64} {
  func.func @_deg_kernel(%arg0: i32, %arg1: i32, %arg2: memref<32x10000xi32, #tpu.memory_space<hbm>>, %arg3: memref<2x128x128xf32, #tpu.memory_space<hbm>>, %arg4: memref<10000xi32, #tpu.memory_space<vmem>>, %arg5: memref<80x128xf32, #tpu.memory_space<vmem>>, %arg6: memref<80xi32, #tpu.memory_space<vmem>>, %arg7: memref<128x128xf32, #tpu.memory_space<vmem_shared>>) attributes {dimension_semantics = [#tpu.dimension_semantics<core_parallel>, #tpu.dimension_semantics<subcore_parallel>], iteration_bounds = array<i64: 2, 16>, scalar_prefetch = 0 : i64, scratch_operands = 4 : i64, tpu.core_type = #tpu.core_type<sc_vector_subcore>, window_params = [{transform_indices = #map}, {transform_indices = #map1}]} {
    %mul3A = arith.constant 16 : i32
    %mul3A_0 = arith.muli %arg0, %mul3A : i32
    %add3A = arith.addi %mul3A_0, %arg1 : i32
    "tpu.region"() ({
      %run_scoped3A = tpu.sem_alloc : memref<!tpu.dma_semaphore, #tpu.memory_space<semaphore_mem>>
      %dma_start3A = arith.constant 0 : i32
      %dma_start3A_28 = tpu.memref_slice %arg2[%add3A, %dma_start3A] : memref<32x10000xi32, #tpu.memory_space<hbm>> -> memref<1x10000xi32, #tpu.memory_space<hbm>>
      %dma_start3A_29 = tpu.memref_squeeze %dma_start3A_28 : memref<1x10000xi32, #tpu.memory_space<hbm>> -> memref<10000xi32, #tpu.memory_space<hbm>>
      %dma_start3A_30 = arith.constant 0 : i32
      %dma_start3A_31 = tpu.memref_slice %arg2[%add3A, %dma_start3A_30] : memref<32x10000xi32, #tpu.memory_space<hbm>> -> memref<1x10000xi32, #tpu.memory_space<hbm>>
      %dma_start3A_32 = tpu.memref_squeeze %dma_start3A_31 : memref<1x10000xi32, #tpu.memory_space<hbm>> -> memref<10000xi32, #tpu.memory_space<hbm>>
      tpu.enqueue_dma source(%dma_start3A_32 : memref<10000xi32, #tpu.memory_space<hbm>>) target(%arg4 : memref<10000xi32, #tpu.memory_space<vmem>>) target_semaphore(%run_scoped3A : memref<!tpu.dma_semaphore, #tpu.memory_space<semaphore_mem>>)
      %dma_wait3A = arith.constant 0 : i32
      %dma_wait3A_33 = tpu.memref_slice %arg2[%add3A, %dma_wait3A] : memref<32x10000xi32, #tpu.memory_space<hbm>> -> memref<1x10000xi32, #tpu.memory_space<hbm>>
      %dma_wait3A_34 = tpu.memref_squeeze %dma_wait3A_33 : memref<1x10000xi32, #tpu.memory_space<hbm>> -> memref<10000xi32, #tpu.memory_space<hbm>>
      %dma_wait3A_35 = arith.constant 0 : i32
      %dma_wait3A_36 = tpu.memref_slice %arg2[%add3A, %dma_wait3A_35] : memref<32x10000xi32, #tpu.memory_space<hbm>> -> memref<1x10000xi32, #tpu.memory_space<hbm>>
      %dma_wait3A_37 = tpu.memref_squeeze %dma_wait3A_36 : memref<1x10000xi32, #tpu.memory_space<hbm>> -> memref<10000xi32, #tpu.memory_space<hbm>>
      tpu.wait_dma2 semaphore(%run_scoped3A : memref<!tpu.dma_semaphore, #tpu.memory_space<semaphore_mem>>) src(%dma_wait3A_37 : memref<10000xi32, #tpu.memory_space<hbm>>) dst(%arg4 : memref<10000xi32, #tpu.memory_space<vmem>>)
      tpu.yield
    }) : () -> ()
    %iota3A = tpu.iota {dimensions = array<i32: 0>} : vector<16xi32>
    %broadcast_in_dim3A = arith.constant 0.000000e+00 : f32
    %broadcast_in_dim3A_1 = vector.broadcast %broadcast_in_dim3A : f32 to vector<16xf32>
    %broadcast_in_dim3A_2 = arith.constant 1.000000e+00 : f32
    %broadcast_in_dim3A_3 = vector.broadcast %broadcast_in_dim3A_2 : f32 to vector<16xf32>
    %scan3A = arith.constant 0 : i32
    %scan3A_4 = arith.constant 0 : i32
    %scan3A_5 = arith.constant 640 : i32
    %scan3A_6 = arith.addi %scan3A_4, %scan3A_5 : i32
    %scan3A_7 = arith.constant 1 : i32
    scf.for %scan3A_28 = %scan3A_4 to %scan3A_6 step %scan3A_7  : i32 {
      %mul3A_29 = arith.constant 16 : i32
      %mul3A_30 = arith.muli %scan3A_28, %mul3A_29 : i32
      %add3A_31 = vector.broadcast %mul3A_30 : i32 to vector<16xi32>
      %add3A_32 = arith.addi %iota3A, %add3A_31 : vector<16xi32>
      %shift_right_arithmetic3A = arith.constant 7 : i32
      %shift_right_arithmetic3A_33 = vector.broadcast %shift_right_arithmetic3A : i32 to vector<16xi32>
      %shift_right_arithmetic3A_34 = arith.shrsi %add3A_32, %shift_right_arithmetic3A_33 : vector<16xi32>
      %and3A = arith.constant 127 : i32
      %and3A_35 = vector.broadcast %and3A : i32 to vector<16xi32>
      %and3A_36 = arith.andi %add3A_32, %and3A_35 : vector<16xi32>
      tpu.vector_store_idx %arg5[%shift_right_arithmetic3A_34, %and3A_36], %broadcast_in_dim3A_1 : memref<80x128xf32, #tpu.memory_space<vmem>>[vector<16xi32>, vector<16xi32>], vector<16xf32>,
    }
    %scan3A_8 = arith.constant 640 : i32
    %scan3A_9 = arith.constant 0 : i32
    %scan3A_10 = arith.constant 0 : i32
    %scan3A_11 = arith.constant 5 : i32
    %scan3A_12 = arith.addi %scan3A_10, %scan3A_11 : i32
    %scan3A_13 = arith.constant 1 : i32
    scf.for %scan3A_28 = %scan3A_10 to %scan3A_12 step %scan3A_13  : i32 {
      %mul3A_29 = arith.constant 16 : i32
      %mul3A_30 = arith.muli %scan3A_28, %mul3A_29 : i32
      %add3A_31 = vector.broadcast %mul3A_30 : i32 to vector<16xi32>
      %add3A_32 = arith.addi %iota3A, %add3A_31 : vector<16xi32>
      %mul3A_33 = arith.constant 16 : i32
      %mul3A_34 = arith.muli %scan3A_28, %mul3A_33 : i32
      %swap3A = arith.index_cast %mul3A_34 : i32 to index
      %swap3A_35 = tpu.vector_load %arg6[%swap3A] {strides = array<i32>} : memref<80xi32, #tpu.memory_space<vmem>>, vector<16xi32>,
      tpu.vector_store %arg6[%swap3A], %add3A_32 {strides = array<i32>} : memref<80xi32, #tpu.memory_space<vmem>>, vector<16xi32>,
    }
    %scan3A_14 = arith.constant 5 : i32
    %mul3A_15 = arith.constant 8 : i32
    %mul3A_16 = arith.muli %arg1, %mul3A_15 : i32
    "tpu.region"() ({
      %run_scoped3A = tpu.sem_alloc : memref<!tpu.dma_semaphore, #tpu.memory_space<semaphore_mem>>
      %dma_start3A = arith.constant 0 : i32
      %dma_start3A_28 = arith.constant 0 : i32
      %dma_start3A_29 = tpu.memref_slice %arg5[%dma_start3A, %dma_start3A_28] : memref<80x128xf32, #tpu.memory_space<vmem>> -> memref<8x128xf32, #tpu.memory_space<vmem>>
      %dma_start3A_30 = arith.constant 0 : i32
      %dma_start3A_31 = tpu.memref_slice %arg7[%mul3A_16, %dma_start3A_30] : memref<128x128xf32, #tpu.memory_space<vmem_shared>> -> memref<8x128xf32, #tpu.memory_space<vmem_shared>>
      %dma_start3A_32 = arith.constant 0 : i32
      %dma_start3A_33 = tpu.memref_slice %arg7[%mul3A_16, %dma_start3A_32] : memref<128x128xf32, #tpu.memory_space<vmem_shared>> -> memref<8x128xf32, #tpu.memory_space<vmem_shared>>
      %dma_start3A_34 = arith.constant 0 : i32
      %dma_start3A_35 = arith.constant 0 : i32
      %dma_start3A_36 = tpu.memref_slice %arg5[%dma_start3A_34, %dma_start3A_35] : memref<80x128xf32, #tpu.memory_space<vmem>> -> memref<8x128xf32, #tpu.memory_space<vmem>>
      tpu.enqueue_dma source(%dma_start3A_36 : memref<8x128xf32, #tpu.memory_space<vmem>>) target(%dma_start3A_33 : memref<8x128xf32, #tpu.memory_space<vmem_shared>>) target_semaphore(%run_scoped3A : memref<!tpu.dma_semaphore, #tpu.memory_space<semaphore_mem>>)
      %dma_wait3A = arith.constant 0 : i32
      %dma_wait3A_37 = arith.constant 0 : i32
      %dma_wait3A_38 = tpu.memref_slice %arg5[%dma_wait3A, %dma_wait3A_37] : memref<80x128xf32, #tpu.memory_space<vmem>> -> memref<8x128xf32, #tpu.memory_space<vmem>>
      %dma_wait3A_39 = arith.constant 0 : i32
      %dma_wait3A_40 = tpu.memref_slice %arg7[%mul3A_16, %dma_wait3A_39] : memref<128x128xf32, #tpu.memory_space<vmem_shared>> -> memref<8x128xf32, #tpu.memory_space<vmem_shared>>
      %dma_wait3A_41 = arith.constant 0 : i32
      %dma_wait3A_42 = tpu.memref_slice %arg7[%mul3A_16, %dma_wait3A_41] : memref<128x128xf32, #tpu.memory_space<vmem_shared>> -> memref<8x128xf32, #tpu.memory_space<vmem_shared>>
      %dma_wait3A_43 = arith.constant 0 : i32
      %dma_wait3A_44 = arith.constant 0 : i32
      %dma_wait3A_45 = tpu.memref_slice %arg5[%dma_wait3A_43, %dma_wait3A_44] : memref<80x128xf32, #tpu.memory_space<vmem>> -> memref<8x128xf32, #tpu.memory_space<vmem>>
      tpu.wait_dma2 semaphore(%run_scoped3A : memref<!tpu.dma_semaphore, #tpu.memory_space<semaphore_mem>>) src(%dma_wait3A_45 : memref<8x128xf32, #tpu.memory_space<vmem>>) dst(%dma_wait3A_42 : memref<8x128xf32, #tpu.memory_space<vmem_shared>>)
      tpu.yield
    }) : () -> ()
    %scan3A_17 = arith.constant 0 : i32
    %scan3A_18 = arith.constant 0 : i32
    %scan3A_19 = arith.constant 625 : i32
    %scan3A_20 = arith.addi %scan3A_18, %scan3A_19 : i32
    %scan3A_21 = arith.constant 1 : i32
    scf.for %scan3A_28 = %scan3A_18 to %scan3A_20 step %scan3A_21  : i32 {
      %mul3A_29 = arith.constant 16 : i32
      %mul3A_30 = arith.muli %scan3A_28, %mul3A_29 : i32
      %get3A = arith.index_cast %mul3A_30 : i32 to index
      %get3A_31 = tpu.vector_load %arg4[%get3A] {strides = array<i32>} : memref<10000xi32, #tpu.memory_space<vmem>>, vector<16xi32>,
      %shift_right_arithmetic3A = arith.constant 7 : i32
      %shift_right_arithmetic3A_32 = vector.broadcast %shift_right_arithmetic3A : i32 to vector<16xi32>
      %shift_right_arithmetic3A_33 = arith.shrsi %get3A_31, %shift_right_arithmetic3A_32 : vector<16xi32>
      %and3A = arith.constant 127 : i32
      %and3A_34 = vector.broadcast %and3A : i32 to vector<16xi32>
      %and3A_35 = arith.andi %get3A_31, %and3A_34 : vector<16xi32>
      tpu.vector_store_idx %arg5[%shift_right_arithmetic3A_33, %and3A_35], %broadcast_in_dim3A_3 {add = true} : memref<80x128xf32, #tpu.memory_space<vmem>>[vector<16xi32>, vector<16xi32>], vector<16xf32>,
    }
    %scan3A_22 = arith.constant 625 : i32
    %barrier3A = arith.constant 0 : index
    tpu.barrier barrier_id(%barrier3A)
    "tpu.region"() ({
      %run_scoped3A = tpu.sem_alloc : memref<!tpu.dma_semaphore, #tpu.memory_space<semaphore_mem>>
      %dma_start3A = arith.constant 0 : i32
      %dma_start3A_28 = arith.constant 0 : i32
      %dma_start3A_29 = tpu.memref_slice %arg7[%dma_start3A, %dma_start3A_28] : memref<128x128xf32, #tpu.memory_space<vmem_shared>> -> memref<128x128xf32, #tpu.memory_space<vmem_shared>>
      tpu.enqueue_indirect_dma source(%arg5 : memref<80x128xf32, #tpu.memory_space<vmem>>) target(%dma_start3A_29 : memref<128x128xf32, #tpu.memory_space<vmem_shared>>) offsets(%arg6 : memref<80xi32, #tpu.memory_space<vmem>>) semaphore(%run_scoped3A : memref<!tpu.dma_semaphore, #tpu.memory_space<semaphore_mem>>) {add = true}
      %dma_wait3A = arith.constant 0 : i32
      %dma_wait3A_30 = arith.constant 0 : i32
      %dma_wait3A_31 = tpu.memref_slice %arg7[%dma_wait3A, %dma_wait3A_30] : memref<128x128xf32, #tpu.memory_space<vmem_shared>> -> memref<128x128xf32, #tpu.memory_space<vmem_shared>>
      tpu.wait_indirect_dma semaphore(%run_scoped3A : memref<!tpu.dma_semaphore, #tpu.memory_space<semaphore_mem>>) src(%arg5 : memref<80x128xf32, #tpu.memory_space<vmem>>) dst(%dma_wait3A_31 : memref<128x128xf32, #tpu.memory_space<vmem_shared>>)
      tpu.yield
    }) : () -> ()
    %barrier3A_23 = arith.constant 0 : index
    tpu.barrier barrier_id(%barrier3A_23)
    %mul3A_24 = arith.constant 8 : i32
    %mul3A_25 = arith.muli %arg1, %mul3A_24 : i32
    %mul3A_26 = arith.constant 8 : i32
    %mul3A_27 = arith.muli %arg1, %mul3A_26 : i32
    "tpu.region"() ({
      %run_scoped3A = tpu.sem_alloc : memref<!tpu.dma_semaphore, #tpu.memory_space<semaphore_mem>>
      %dma_start3A = arith.constant 0 : i32
      %dma_start3A_28 = tpu.memref_slice %arg3[%arg0, %mul3A_27, %dma_start3A] : memref<2x128x128xf32, #tpu.memory_space<hbm>> -> memref<1x8x128xf32, #tpu.memory_space<hbm>>
      %dma_start3A_29 = tpu.memref_squeeze %dma_start3A_28 : memref<1x8x128xf32, #tpu.memory_space<hbm>> -> memref<8x128xf32, #tpu.memory_space<hbm>>
      %dma_start3A_30 = arith.constant 0 : i32
      %dma_start3A_31 = tpu.memref_slice %arg7[%mul3A_25, %dma_start3A_30] : memref<128x128xf32, #tpu.memory_space<vmem_shared>> -> memref<8x128xf32, #tpu.memory_space<vmem_shared>>
      tpu.enqueue_dma source(%dma_start3A_31 : memref<8x128xf32, #tpu.memory_space<vmem_shared>>) target(%dma_start3A_29 : memref<8x128xf32, #tpu.memory_space<hbm>>) target_semaphore(%run_scoped3A : memref<!tpu.dma_semaphore, #tpu.memory_space<semaphore_mem>>)
      %dma_wait3A = arith.constant 0 : i32
      %dma_wait3A_32 = tpu.memref_slice %arg3[%arg0, %mul3A_27, %dma_wait3A] : memref<2x128x128xf32, #tpu.memory_space<hbm>> -> memref<1x8x128xf32, #tpu.memory_space<hbm>>
      %dma_wait3A_33 = tpu.memref_squeeze %dma_wait3A_32 : memref<1x8x128xf32, #tpu.memory_space<hbm>> -> memref<8x128xf32, #tpu.memory_space<hbm>>
      %dma_wait3A_34 = arith.constant 0 : i32
      %dma_wait3A_35 = tpu.memref_slice %arg7[%mul3A_25, %dma_wait3A_34] : memref<128x128xf32, #tpu.memory_space<vmem_shared>> -> memref<8x128xf32, #tpu.memory_space<vmem_shared>>
      tpu.wait_dma2 semaphore(%run_scoped3A : memref<!tpu.dma_semaphore, #tpu.memory_space<semaphore_mem>>) src(%dma_wait3A_35 : memref<8x128xf32, #tpu.memory_space<vmem_shared>>) dst(%dma_wait3A_33 : memref<8x128xf32, #tpu.memory_space<hbm>>)
      tpu.yield
    }) : () -> ()
    return
  }
}

#map = affine_map<(d0, d1) -> (0, 0)>
#map1 = affine_map<(d0, d1) -> (0, 0, 0)>
module attributes {stable_mosaic.version = 14 : i64} {
  func.func @_scatter_kernel(%arg0: i32, %arg1: i32, %arg2: memref<10240x128xf32, #tpu.memory_space<hbm>>, %arg3: memref<32x125x80xi32, #tpu.memory_space<hbm>>, %arg4: memref<32x125x80xi32, #tpu.memory_space<hbm>>, %arg5: memref<2x10240x128xf32, #tpu.memory_space<hbm>>, %arg6: memref<125x80xi32, #tpu.memory_space<vmem>>, %arg7: memref<125x80xi32, #tpu.memory_space<vmem>>, %arg8: memref<80x128xf32, #tpu.memory_space<vmem>>, %arg9: memref<10240x128xf32, #tpu.memory_space<vmem_shared>>) attributes {dimension_semantics = [#tpu.dimension_semantics<core_parallel>, #tpu.dimension_semantics<subcore_parallel>], iteration_bounds = array<i64: 2, 16>, scalar_prefetch = 0 : i64, scratch_operands = 4 : i64, tpu.core_type = #tpu.core_type<sc_vector_subcore>, window_params = [{transform_indices = #map}, {transform_indices = #map1}, {transform_indices = #map1}, {transform_indices = #map1}]} {
    %mul3A = arith.constant 16 : i32
    %mul3A_0 = arith.muli %arg0, %mul3A : i32
    %add3A = arith.addi %mul3A_0, %arg1 : i32
    "tpu.region"() ({
      %run_scoped3A = tpu.sem_alloc : memref<!tpu.dma_semaphore, #tpu.memory_space<semaphore_mem>>
      %dma_start3A = arith.constant 0 : i32
      %dma_start3A_49 = arith.constant 0 : i32
      %dma_start3A_50 = tpu.memref_slice %arg3[%add3A, %dma_start3A, %dma_start3A_49] : memref<32x125x80xi32, #tpu.memory_space<hbm>> -> memref<1x125x80xi32, #tpu.memory_space<hbm>>
      %dma_start3A_51 = tpu.memref_squeeze %dma_start3A_50 : memref<1x125x80xi32, #tpu.memory_space<hbm>> -> memref<125x80xi32, #tpu.memory_space<hbm>>
      %dma_start3A_52 = arith.constant 0 : i32
      %dma_start3A_53 = arith.constant 0 : i32
      %dma_start3A_54 = tpu.memref_slice %arg3[%add3A, %dma_start3A_52, %dma_start3A_53] : memref<32x125x80xi32, #tpu.memory_space<hbm>> -> memref<1x125x80xi32, #tpu.memory_space<hbm>>
      %dma_start3A_55 = tpu.memref_squeeze %dma_start3A_54 : memref<1x125x80xi32, #tpu.memory_space<hbm>> -> memref<125x80xi32, #tpu.memory_space<hbm>>
      tpu.enqueue_dma source(%dma_start3A_55 : memref<125x80xi32, #tpu.memory_space<hbm>>) target(%arg6 : memref<125x80xi32, #tpu.memory_space<vmem>>) target_semaphore(%run_scoped3A : memref<!tpu.dma_semaphore, #tpu.memory_space<semaphore_mem>>)
      %dma_wait3A = arith.constant 0 : i32
      %dma_wait3A_56 = arith.constant 0 : i32
      %dma_wait3A_57 = tpu.memref_slice %arg3[%add3A, %dma_wait3A, %dma_wait3A_56] : memref<32x125x80xi32, #tpu.memory_space<hbm>> -> memref<1x125x80xi32, #tpu.memory_space<hbm>>
      %dma_wait3A_58 = tpu.memref_squeeze %dma_wait3A_57 : memref<1x125x80xi32, #tpu.memory_space<hbm>> -> memref<125x80xi32, #tpu.memory_space<hbm>>
      %dma_wait3A_59 = arith.constant 0 : i32
      %dma_wait3A_60 = arith.constant 0 : i32
      %dma_wait3A_61 = tpu.memref_slice %arg3[%add3A, %dma_wait3A_59, %dma_wait3A_60] : memref<32x125x80xi32, #tpu.memory_space<hbm>> -> memref<1x125x80xi32, #tpu.memory_space<hbm>>
      %dma_wait3A_62 = tpu.memref_squeeze %dma_wait3A_61 : memref<1x125x80xi32, #tpu.memory_space<hbm>> -> memref<125x80xi32, #tpu.memory_space<hbm>>
      tpu.wait_dma2 semaphore(%run_scoped3A : memref<!tpu.dma_semaphore, #tpu.memory_space<semaphore_mem>>) src(%dma_wait3A_62 : memref<125x80xi32, #tpu.memory_space<hbm>>) dst(%arg6 : memref<125x80xi32, #tpu.memory_space<vmem>>)
      tpu.yield
    }) : () -> ()
    "tpu.region"() ({
      %run_scoped3A = tpu.sem_alloc : memref<!tpu.dma_semaphore, #tpu.memory_space<semaphore_mem>>
      %dma_start3A = arith.constant 0 : i32
      %dma_start3A_49 = arith.constant 0 : i32
      %dma_start3A_50 = tpu.memref_slice %arg4[%add3A, %dma_start3A, %dma_start3A_49] : memref<32x125x80xi32, #tpu.memory_space<hbm>> -> memref<1x125x80xi32, #tpu.memory_space<hbm>>
      %dma_start3A_51 = tpu.memref_squeeze %dma_start3A_50 : memref<1x125x80xi32, #tpu.memory_space<hbm>> -> memref<125x80xi32, #tpu.memory_space<hbm>>
      %dma_start3A_52 = arith.constant 0 : i32
      %dma_start3A_53 = arith.constant 0 : i32
      %dma_start3A_54 = tpu.memref_slice %arg4[%add3A, %dma_start3A_52, %dma_start3A_53] : memref<32x125x80xi32, #tpu.memory_space<hbm>> -> memref<1x125x80xi32, #tpu.memory_space<hbm>>
      %dma_start3A_55 = tpu.memref_squeeze %dma_start3A_54 : memref<1x125x80xi32, #tpu.memory_space<hbm>> -> memref<125x80xi32, #tpu.memory_space<hbm>>
      tpu.enqueue_dma source(%dma_start3A_55 : memref<125x80xi32, #tpu.memory_space<hbm>>) target(%arg7 : memref<125x80xi32, #tpu.memory_space<vmem>>) target_semaphore(%run_scoped3A : memref<!tpu.dma_semaphore, #tpu.memory_space<semaphore_mem>>)
      %dma_wait3A = arith.constant 0 : i32
      %dma_wait3A_56 = arith.constant 0 : i32
      %dma_wait3A_57 = tpu.memref_slice %arg4[%add3A, %dma_wait3A, %dma_wait3A_56] : memref<32x125x80xi32, #tpu.memory_space<hbm>> -> memref<1x125x80xi32, #tpu.memory_space<hbm>>
      %dma_wait3A_58 = tpu.memref_squeeze %dma_wait3A_57 : memref<1x125x80xi32, #tpu.memory_space<hbm>> -> memref<125x80xi32, #tpu.memory_space<hbm>>
      %dma_wait3A_59 = arith.constant 0 : i32
      %dma_wait3A_60 = arith.constant 0 : i32
      %dma_wait3A_61 = tpu.memref_slice %arg4[%add3A, %dma_wait3A_59, %dma_wait3A_60] : memref<32x125x80xi32, #tpu.memory_space<hbm>> -> memref<1x125x80xi32, #tpu.memory_space<hbm>>
      %dma_wait3A_62 = tpu.memref_squeeze %dma_wait3A_61 : memref<1x125x80xi32, #tpu.memory_space<hbm>> -> memref<125x80xi32, #tpu.memory_space<hbm>>
      tpu.wait_dma2 semaphore(%run_scoped3A : memref<!tpu.dma_semaphore, #tpu.memory_space<semaphore_mem>>) src(%dma_wait3A_62 : memref<125x80xi32, #tpu.memory_space<hbm>>) dst(%arg7 : memref<125x80xi32, #tpu.memory_space<vmem>>)
      tpu.yield
    }) : () -> ()
    %scan3A = arith.constant 0 : i32
    %scan3A_1 = arith.constant 0 : i32
    %scan3A_2 = arith.constant 640 : i32
    %scan3A_3 = arith.addi %scan3A_1, %scan3A_2 : i32
    %scan3A_4 = arith.constant 1 : i32
    scf.for %scan3A_49 = %scan3A_1 to %scan3A_3 step %scan3A_4  : i32 {
      %jit3A = arith.constant 8 : i32
      %div3A = arith.divsi %scan3A_49, %jit3A : i32
      %sign3A = arith.constant 0 : i32
      %sign3A_50 = arith.cmpi sgt, %scan3A_49, %sign3A : i32
      %sign3A_51 = arith.extui %sign3A_50 : i1 to i32
      %sign3A_52 = arith.constant 0 : i32
      %sign3A_53 = arith.cmpi slt, %scan3A_49, %sign3A_52 : i32
      %sign3A_54 = arith.extui %sign3A_53 : i1 to i32
      %sign3A_55 = arith.subi %sign3A_51, %sign3A_54 : i32
      %sign3A_56 = arith.constant 0 : i32
      %sign3A_57 = arith.cmpi sgt, %jit3A, %sign3A_56 : i32
      %sign3A_58 = arith.extui %sign3A_57 : i1 to i32
      %sign3A_59 = arith.constant 0 : i32
      %sign3A_60 = arith.cmpi slt, %jit3A, %sign3A_59 : i32
      %sign3A_61 = arith.extui %sign3A_60 : i1 to i32
      %sign3A_62 = arith.subi %sign3A_58, %sign3A_61 : i32
      %ne3A = arith.cmpi ne, %sign3A_55, %sign3A_62 : i32
      %rem3A = arith.remsi %scan3A_49, %jit3A : i32
      %ne3A_63 = arith.constant 0 : i32
      %ne3A_64 = arith.cmpi ne, %rem3A, %ne3A_63 : i32
      %and3A = arith.andi %ne3A, %ne3A_64 : i1
      %sub3A = arith.constant 1 : i32
      %sub3A_65 = arith.subi %div3A, %sub3A : i32
      %select_n3A = arith.select %and3A, %sub3A_65, %div3A : i32
      %jit3A_66 = arith.constant 8 : i32
      %eq3A = arith.constant 0 : i32
      %eq3A_67 = arith.cmpi eq, %jit3A_66, %eq3A : i32
      %jit3A_68 = arith.constant 1 : i32
      %select_n3A_69 = arith.select %eq3A_67, %jit3A_68, %jit3A_66 : i32
      %rem3A_70 = arith.remsi %scan3A_49, %select_n3A_69 : i32
      %ne3A_71 = arith.constant 0 : i32
      %ne3A_72 = arith.cmpi ne, %rem3A_70, %ne3A_71 : i32
      %lt3A = arith.constant 0 : i32
      %lt3A_73 = arith.cmpi slt, %rem3A_70, %lt3A : i32
      %lt3A_74 = arith.constant 0 : i32
      %lt3A_75 = arith.cmpi slt, %select_n3A_69, %lt3A_74 : i32
      %ne3A_76 = arith.xori %lt3A_73, %lt3A_75 : i1
      %and3A_77 = arith.andi %ne3A_76, %ne3A_72 : i1
      %add3A_78 = arith.addi %rem3A_70, %select_n3A_69 : i32
      %select_n3A_79 = arith.select %and3A_77, %add3A_78, %rem3A_70 : i32
      %broadcast_in_dim3A = arith.constant 0.000000e+00 : f32
      %broadcast_in_dim3A_80 = vector.broadcast %broadcast_in_dim3A : f32 to vector<16xf32>
      %mul3A_81 = arith.constant 16 : i32
      %mul3A_82 = arith.muli %select_n3A_79, %mul3A_81 : i32
      %swap3A = arith.index_cast %select_n3A : i32 to index
      %swap3A_83 = arith.index_cast %mul3A_82 : i32 to index
      %swap3A_84 = tpu.vector_load %arg8[%swap3A, %swap3A_83] {strides = array<i32>} : memref<80x128xf32, #tpu.memory_space<vmem>>, vector<1x16xf32>,
      %swap3A_85 = vector.shape_cast %swap3A_84 : vector<1x16xf32> to vector<16xf32>
      %swap3A_86 = vector.shape_cast %broadcast_in_dim3A_80 : vector<16xf32> to vector<1x16xf32>
      tpu.vector_store %arg8[%swap3A, %swap3A_83], %swap3A_86 {strides = array<i32>} : memref<80x128xf32, #tpu.memory_space<vmem>>, vector<1x16xf32>,
    }
    %scan3A_5 = arith.constant 640 : i32
    %mul3A_6 = arith.constant 640 : i32
    %mul3A_7 = arith.muli %arg1, %mul3A_6 : i32
    %add3A_8 = arith.constant 0 : i32
    %add3A_9 = arith.addi %mul3A_7, %add3A_8 : i32
    "tpu.region"() ({
      %run_scoped3A = tpu.sem_alloc : memref<!tpu.dma_semaphore, #tpu.memory_space<semaphore_mem>>
      %dma_start3A = arith.constant 0 : i32
      %dma_start3A_49 = tpu.memref_slice %arg9[%add3A_9, %dma_start3A] : memref<10240x128xf32, #tpu.memory_space<vmem_shared>> -> memref<80x128xf32, #tpu.memory_space<vmem_shared>>
      %dma_start3A_50 = arith.constant 0 : i32
      %dma_start3A_51 = tpu.memref_slice %arg9[%add3A_9, %dma_start3A_50] : memref<10240x128xf32, #tpu.memory_space<vmem_shared>> -> memref<80x128xf32, #tpu.memory_space<vmem_shared>>
      tpu.enqueue_dma source(%arg8 : memref<80x128xf32, #tpu.memory_space<vmem>>) target(%dma_start3A_51 : memref<80x128xf32, #tpu.memory_space<vmem_shared>>) target_semaphore(%run_scoped3A : memref<!tpu.dma_semaphore, #tpu.memory_space<semaphore_mem>>)
      %dma_wait3A = arith.constant 0 : i32
      %dma_wait3A_52 = tpu.memref_slice %arg9[%add3A_9, %dma_wait3A] : memref<10240x128xf32, #tpu.memory_space<vmem_shared>> -> memref<80x128xf32, #tpu.memory_space<vmem_shared>>
      %dma_wait3A_53 = arith.constant 0 : i32
      %dma_wait3A_54 = tpu.memref_slice %arg9[%add3A_9, %dma_wait3A_53] : memref<10240x128xf32, #tpu.memory_space<vmem_shared>> -> memref<80x128xf32, #tpu.memory_space<vmem_shared>>
      tpu.wait_dma2 semaphore(%run_scoped3A : memref<!tpu.dma_semaphore, #tpu.memory_space<semaphore_mem>>) src(%arg8 : memref<80x128xf32, #tpu.memory_space<vmem>>) dst(%dma_wait3A_54 : memref<80x128xf32, #tpu.memory_space<vmem_shared>>)
      tpu.yield
    }) : () -> ()
    %mul3A_10 = arith.constant 640 : i32
    %mul3A_11 = arith.muli %arg1, %mul3A_10 : i32
    %add3A_12 = arith.constant 80 : i32
    %add3A_13 = arith.addi %mul3A_11, %add3A_12 : i32
    "tpu.region"() ({
      %run_scoped3A = tpu.sem_alloc : memref<!tpu.dma_semaphore, #tpu.memory_space<semaphore_mem>>
      %dma_start3A = arith.constant 0 : i32
      %dma_start3A_49 = tpu.memref_slice %arg9[%add3A_13, %dma_start3A] : memref<10240x128xf32, #tpu.memory_space<vmem_shared>> -> memref<80x128xf32, #tpu.memory_space<vmem_shared>>
      %dma_start3A_50 = arith.constant 0 : i32
      %dma_start3A_51 = tpu.memref_slice %arg9[%add3A_13, %dma_start3A_50] : memref<10240x128xf32, #tpu.memory_space<vmem_shared>> -> memref<80x128xf32, #tpu.memory_space<vmem_shared>>
      tpu.enqueue_dma source(%arg8 : memref<80x128xf32, #tpu.memory_space<vmem>>) target(%dma_start3A_51 : memref<80x128xf32, #tpu.memory_space<vmem_shared>>) target_semaphore(%run_scoped3A : memref<!tpu.dma_semaphore, #tpu.memory_space<semaphore_mem>>)
      %dma_wait3A = arith.constant 0 : i32
      %dma_wait3A_52 = tpu.memref_slice %arg9[%add3A_13, %dma_wait3A] : memref<10240x128xf32, #tpu.memory_space<vmem_shared>> -> memref<80x128xf32, #tpu.memory_space<vmem_shared>>
      %dma_wait3A_53 = arith.constant 0 : i32
      %dma_wait3A_54 = tpu.memref_slice %arg9[%add3A_13, %dma_wait3A_53] : memref<10240x128xf32, #tpu.memory_space<vmem_shared>> -> memref<80x128xf32, #tpu.memory_space<vmem_shared>>
      tpu.wait_dma2 semaphore(%run_scoped3A : memref<!tpu.dma_semaphore, #tpu.memory_space<semaphore_mem>>) src(%arg8 : memref<80x128xf32, #tpu.memory_space<vmem>>) dst(%dma_wait3A_54 : memref<80x128xf32, #tpu.memory_space<vmem_shared>>)
      tpu.yield
    }) : () -> ()
    %mul3A_14 = arith.constant 640 : i32
    %mul3A_15 = arith.muli %arg1, %mul3A_14 : i32
    %add3A_16 = arith.constant 160 : i32
    %add3A_17 = arith.addi %mul3A_15, %add3A_16 : i32
    "tpu.region"() ({
      %run_scoped3A = tpu.sem_alloc : memref<!tpu.dma_semaphore, #tpu.memory_space<semaphore_mem>>
      %dma_start3A = arith.constant 0 : i32
      %dma_start3A_49 = tpu.memref_slice %arg9[%add3A_17, %dma_start3A] : memref<10240x128xf32, #tpu.memory_space<vmem_shared>> -> memref<80x128xf32, #tpu.memory_space<vmem_shared>>
      %dma_start3A_50 = arith.constant 0 : i32
      %dma_start3A_51 = tpu.memref_slice %arg9[%add3A_17, %dma_start3A_50] : memref<10240x128xf32, #tpu.memory_space<vmem_shared>> -> memref<80x128xf32, #tpu.memory_space<vmem_shared>>
      tpu.enqueue_dma source(%arg8 : memref<80x128xf32, #tpu.memory_space<vmem>>) target(%dma_start3A_51 : memref<80x128xf32, #tpu.memory_space<vmem_shared>>) target_semaphore(%run_scoped3A : memref<!tpu.dma_semaphore, #tpu.memory_space<semaphore_mem>>)
      %dma_wait3A = arith.constant 0 : i32
      %dma_wait3A_52 = tpu.memref_slice %arg9[%add3A_17, %dma_wait3A] : memref<10240x128xf32, #tpu.memory_space<vmem_shared>> -> memref<80x128xf32, #tpu.memory_space<vmem_shared>>
      %dma_wait3A_53 = arith.constant 0 : i32
      %dma_wait3A_54 = tpu.memref_slice %arg9[%add3A_17, %dma_wait3A_53] : memref<10240x128xf32, #tpu.memory_space<vmem_shared>> -> memref<80x128xf32, #tpu.memory_space<vmem_shared>>
      tpu.wait_dma2 semaphore(%run_scoped3A : memref<!tpu.dma_semaphore, #tpu.memory_space<semaphore_mem>>) src(%arg8 : memref<80x128xf32, #tpu.memory_space<vmem>>) dst(%dma_wait3A_54 : memref<80x128xf32, #tpu.memory_space<vmem_shared>>)
      tpu.yield
    }) : () -> ()
    %mul3A_18 = arith.constant 640 : i32
    %mul3A_19 = arith.muli %arg1, %mul3A_18 : i32
    %add3A_20 = arith.constant 240 : i32
    %add3A_21 = arith.addi %mul3A_19, %add3A_20 : i32
    "tpu.region"() ({
      %run_scoped3A = tpu.sem_alloc : memref<!tpu.dma_semaphore, #tpu.memory_space<semaphore_mem>>
      %dma_start3A = arith.constant 0 : i32
      %dma_start3A_49 = tpu.memref_slice %arg9[%add3A_21, %dma_start3A] : memref<10240x128xf32, #tpu.memory_space<vmem_shared>> -> memref<80x128xf32, #tpu.memory_space<vmem_shared>>
      %dma_start3A_50 = arith.constant 0 : i32
      %dma_start3A_51 = tpu.memref_slice %arg9[%add3A_21, %dma_start3A_50] : memref<10240x128xf32, #tpu.memory_space<vmem_shared>> -> memref<80x128xf32, #tpu.memory_space<vmem_shared>>
      tpu.enqueue_dma source(%arg8 : memref<80x128xf32, #tpu.memory_space<vmem>>) target(%dma_start3A_51 : memref<80x128xf32, #tpu.memory_space<vmem_shared>>) target_semaphore(%run_scoped3A : memref<!tpu.dma_semaphore, #tpu.memory_space<semaphore_mem>>)
      %dma_wait3A = arith.constant 0 : i32
      %dma_wait3A_52 = tpu.memref_slice %arg9[%add3A_21, %dma_wait3A] : memref<10240x128xf32, #tpu.memory_space<vmem_shared>> -> memref<80x128xf32, #tpu.memory_space<vmem_shared>>
      %dma_wait3A_53 = arith.constant 0 : i32
      %dma_wait3A_54 = tpu.memref_slice %arg9[%add3A_21, %dma_wait3A_53] : memref<10240x128xf32, #tpu.memory_space<vmem_shared>> -> memref<80x128xf32, #tpu.memory_space<vmem_shared>>
      tpu.wait_dma2 semaphore(%run_scoped3A : memref<!tpu.dma_semaphore, #tpu.memory_space<semaphore_mem>>) src(%arg8 : memref<80x128xf32, #tpu.memory_space<vmem>>) dst(%dma_wait3A_54 : memref<80x128xf32, #tpu.memory_space<vmem_shared>>)
      tpu.yield
    }) : () -> ()
    %mul3A_22 = arith.constant 640 : i32
    %mul3A_23 = arith.muli %arg1, %mul3A_22 : i32
    %add3A_24 = arith.constant 320 : i32
    %add3A_25 = arith.addi %mul3A_23, %add3A_24 : i32
    "tpu.region"() ({
      %run_scoped3A = tpu.sem_alloc : memref<!tpu.dma_semaphore, #tpu.memory_space<semaphore_mem>>
      %dma_start3A = arith.constant 0 : i32
      %dma_start3A_49 = tpu.memref_slice %arg9[%add3A_25, %dma_start3A] : memref<10240x128xf32, #tpu.memory_space<vmem_shared>> -> memref<80x128xf32, #tpu.memory_space<vmem_shared>>
      %dma_start3A_50 = arith.constant 0 : i32
      %dma_start3A_51 = tpu.memref_slice %arg9[%add3A_25, %dma_start3A_50] : memref<10240x128xf32, #tpu.memory_space<vmem_shared>> -> memref<80x128xf32, #tpu.memory_space<vmem_shared>>
      tpu.enqueue_dma source(%arg8 : memref<80x128xf32, #tpu.memory_space<vmem>>) target(%dma_start3A_51 : memref<80x128xf32, #tpu.memory_space<vmem_shared>>) target_semaphore(%run_scoped3A : memref<!tpu.dma_semaphore, #tpu.memory_space<semaphore_mem>>)
      %dma_wait3A = arith.constant 0 : i32
      %dma_wait3A_52 = tpu.memref_slice %arg9[%add3A_25, %dma_wait3A] : memref<10240x128xf32, #tpu.memory_space<vmem_shared>> -> memref<80x128xf32, #tpu.memory_space<vmem_shared>>
      %dma_wait3A_53 = arith.constant 0 : i32
      %dma_wait3A_54 = tpu.memref_slice %arg9[%add3A_25, %dma_wait3A_53] : memref<10240x128xf32, #tpu.memory_space<vmem_shared>> -> memref<80x128xf32, #tpu.memory_space<vmem_shared>>
      tpu.wait_dma2 semaphore(%run_scoped3A : memref<!tpu.dma_semaphore, #tpu.memory_space<semaphore_mem>>) src(%arg8 : memref<80x128xf32, #tpu.memory_space<vmem>>) dst(%dma_wait3A_54 : memref<80x128xf32, #tpu.memory_space<vmem_shared>>)
      tpu.yield
    }) : () -> ()
    %mul3A_26 = arith.constant 640 : i32
    %mul3A_27 = arith.muli %arg1, %mul3A_26 : i32
    %add3A_28 = arith.constant 400 : i32
    %add3A_29 = arith.addi %mul3A_27, %add3A_28 : i32
    "tpu.region"() ({
      %run_scoped3A = tpu.sem_alloc : memref<!tpu.dma_semaphore, #tpu.memory_space<semaphore_mem>>
      %dma_start3A = arith.constant 0 : i32
      %dma_start3A_49 = tpu.memref_slice %arg9[%add3A_29, %dma_start3A] : memref<10240x128xf32, #tpu.memory_space<vmem_shared>> -> memref<80x128xf32, #tpu.memory_space<vmem_shared>>
      %dma_start3A_50 = arith.constant 0 : i32
      %dma_start3A_51 = tpu.memref_slice %arg9[%add3A_29, %dma_start3A_50] : memref<10240x128xf32, #tpu.memory_space<vmem_shared>> -> memref<80x128xf32, #tpu.memory_space<vmem_shared>>
      tpu.enqueue_dma source(%arg8 : memref<80x128xf32, #tpu.memory_space<vmem>>) target(%dma_start3A_51 : memref<80x128xf32, #tpu.memory_space<vmem_shared>>) target_semaphore(%run_scoped3A : memref<!tpu.dma_semaphore, #tpu.memory_space<semaphore_mem>>)
      %dma_wait3A = arith.constant 0 : i32
      %dma_wait3A_52 = tpu.memref_slice %arg9[%add3A_29, %dma_wait3A] : memref<10240x128xf32, #tpu.memory_space<vmem_shared>> -> memref<80x128xf32, #tpu.memory_space<vmem_shared>>
      %dma_wait3A_53 = arith.constant 0 : i32
      %dma_wait3A_54 = tpu.memref_slice %arg9[%add3A_29, %dma_wait3A_53] : memref<10240x128xf32, #tpu.memory_space<vmem_shared>> -> memref<80x128xf32, #tpu.memory_space<vmem_shared>>
      tpu.wait_dma2 semaphore(%run_scoped3A : memref<!tpu.dma_semaphore, #tpu.memory_space<semaphore_mem>>) src(%arg8 : memref<80x128xf32, #tpu.memory_space<vmem>>) dst(%dma_wait3A_54 : memref<80x128xf32, #tpu.memory_space<vmem_shared>>)
      tpu.yield
    }) : () -> ()
    %mul3A_30 = arith.constant 640 : i32
    %mul3A_31 = arith.muli %arg1, %mul3A_30 : i32
    %add3A_32 = arith.constant 480 : i32
    %add3A_33 = arith.addi %mul3A_31, %add3A_32 : i32
    "tpu.region"() ({
      %run_scoped3A = tpu.sem_alloc : memref<!tpu.dma_semaphore, #tpu.memory_space<semaphore_mem>>
      %dma_start3A = arith.constant 0 : i32
      %dma_start3A_49 = tpu.memref_slice %arg9[%add3A_33, %dma_start3A] : memref<10240x128xf32, #tpu.memory_space<vmem_shared>> -> memref<80x128xf32, #tpu.memory_space<vmem_shared>>
      %dma_start3A_50 = arith.constant 0 : i32
      %dma_start3A_51 = tpu.memref_slice %arg9[%add3A_33, %dma_start3A_50] : memref<10240x128xf32, #tpu.memory_space<vmem_shared>> -> memref<80x128xf32, #tpu.memory_space<vmem_shared>>
      tpu.enqueue_dma source(%arg8 : memref<80x128xf32, #tpu.memory_space<vmem>>) target(%dma_start3A_51 : memref<80x128xf32, #tpu.memory_space<vmem_shared>>) target_semaphore(%run_scoped3A : memref<!tpu.dma_semaphore, #tpu.memory_space<semaphore_mem>>)
      %dma_wait3A = arith.constant 0 : i32
      %dma_wait3A_52 = tpu.memref_slice %arg9[%add3A_33, %dma_wait3A] : memref<10240x128xf32, #tpu.memory_space<vmem_shared>> -> memref<80x128xf32, #tpu.memory_space<vmem_shared>>
      %dma_wait3A_53 = arith.constant 0 : i32
      %dma_wait3A_54 = tpu.memref_slice %arg9[%add3A_33, %dma_wait3A_53] : memref<10240x128xf32, #tpu.memory_space<vmem_shared>> -> memref<80x128xf32, #tpu.memory_space<vmem_shared>>
      tpu.wait_dma2 semaphore(%run_scoped3A : memref<!tpu.dma_semaphore, #tpu.memory_space<semaphore_mem>>) src(%arg8 : memref<80x128xf32, #tpu.memory_space<vmem>>) dst(%dma_wait3A_54 : memref<80x128xf32, #tpu.memory_space<vmem_shared>>)
      tpu.yield
    }) : () -> ()
    %mul3A_34 = arith.constant 640 : i32
    %mul3A_35 = arith.muli %arg1, %mul3A_34 : i32
    %add3A_36 = arith.constant 560 : i32
    %add3A_37 = arith.addi %mul3A_35, %add3A_36 : i32
    "tpu.region"() ({
      %run_scoped3A = tpu.sem_alloc : memref<!tpu.dma_semaphore, #tpu.memory_space<semaphore_mem>>
      %dma_start3A = arith.constant 0 : i32
      %dma_start3A_49 = tpu.memref_slice %arg9[%add3A_37, %dma_start3A] : memref<10240x128xf32, #tpu.memory_space<vmem_shared>> -> memref<80x128xf32, #tpu.memory_space<vmem_shared>>
      %dma_start3A_50 = arith.constant 0 : i32
      %dma_start3A_51 = tpu.memref_slice %arg9[%add3A_37, %dma_start3A_50] : memref<10240x128xf32, #tpu.memory_space<vmem_shared>> -> memref<80x128xf32, #tpu.memory_space<vmem_shared>>
      tpu.enqueue_dma source(%arg8 : memref<80x128xf32, #tpu.memory_space<vmem>>) target(%dma_start3A_51 : memref<80x128xf32, #tpu.memory_space<vmem_shared>>) target_semaphore(%run_scoped3A : memref<!tpu.dma_semaphore, #tpu.memory_space<semaphore_mem>>)
      %dma_wait3A = arith.constant 0 : i32
      %dma_wait3A_52 = tpu.memref_slice %arg9[%add3A_37, %dma_wait3A] : memref<10240x128xf32, #tpu.memory_space<vmem_shared>> -> memref<80x128xf32, #tpu.memory_space<vmem_shared>>
      %dma_wait3A_53 = arith.constant 0 : i32
      %dma_wait3A_54 = tpu.memref_slice %arg9[%add3A_37, %dma_wait3A_53] : memref<10240x128xf32, #tpu.memory_space<vmem_shared>> -> memref<80x128xf32, #tpu.memory_space<vmem_shared>>
      tpu.wait_dma2 semaphore(%run_scoped3A : memref<!tpu.dma_semaphore, #tpu.memory_space<semaphore_mem>>) src(%arg8 : memref<80x128xf32, #tpu.memory_space<vmem>>) dst(%dma_wait3A_54 : memref<80x128xf32, #tpu.memory_space<vmem_shared>>)
      tpu.yield
    }) : () -> ()
    %barrier3A = arith.constant 0 : index
    tpu.barrier barrier_id(%barrier3A)
    %scan3A_38 = arith.constant 0 : i32
    %scan3A_39 = arith.constant 0 : i32
    %scan3A_40 = arith.constant 125 : i32
    %scan3A_41 = arith.addi %scan3A_39, %scan3A_40 : i32
    %scan3A_42 = arith.constant 1 : i32
    scf.for %scan3A_49 = %scan3A_39 to %scan3A_41 step %scan3A_42  : i32 {
      "tpu.region"() ({
        %run_scoped3A = tpu.sem_alloc : memref<!tpu.dma_semaphore, #tpu.memory_space<semaphore_mem>>
        %dma_start3A = arith.constant 0 : i32
        %dma_start3A_50 = tpu.memref_slice %arg6[%scan3A_49, %dma_start3A] : memref<125x80xi32, #tpu.memory_space<vmem>> -> memref<1x80xi32, #tpu.memory_space<vmem>>
        %dma_start3A_51 = tpu.memref_squeeze %dma_start3A_50 : memref<1x80xi32, #tpu.memory_space<vmem>> -> memref<80xi32, #tpu.memory_space<vmem>>
        %dma_start3A_52 = arith.constant 0 : i32
        %dma_start3A_53 = arith.constant 0 : i32
        %dma_start3A_54 = tpu.memref_slice %arg2[%dma_start3A_52, %dma_start3A_53] : memref<10240x128xf32, #tpu.memory_space<hbm>> -> memref<10240x128xf32, #tpu.memory_space<hbm>>
        tpu.enqueue_indirect_dma source(%dma_start3A_54 : memref<10240x128xf32, #tpu.memory_space<hbm>>) target(%arg8 : memref<80x128xf32, #tpu.memory_space<vmem>>) offsets(%dma_start3A_51 : memref<80xi32, #tpu.memory_space<vmem>>) semaphore(%run_scoped3A : memref<!tpu.dma_semaphore, #tpu.memory_space<semaphore_mem>>)
        %dma_wait3A = arith.constant 0 : i32
        %dma_wait3A_55 = tpu.memref_slice %arg6[%scan3A_49, %dma_wait3A] : memref<125x80xi32, #tpu.memory_space<vmem>> -> memref<1x80xi32, #tpu.memory_space<vmem>>
        %dma_wait3A_56 = tpu.memref_squeeze %dma_wait3A_55 : memref<1x80xi32, #tpu.memory_space<vmem>> -> memref<80xi32, #tpu.memory_space<vmem>>
        %dma_wait3A_57 = arith.constant 0 : i32
        %dma_wait3A_58 = arith.constant 0 : i32
        %dma_wait3A_59 = tpu.memref_slice %arg2[%dma_wait3A_57, %dma_wait3A_58] : memref<10240x128xf32, #tpu.memory_space<hbm>> -> memref<10240x128xf32, #tpu.memory_space<hbm>>
        tpu.wait_indirect_dma semaphore(%run_scoped3A : memref<!tpu.dma_semaphore, #tpu.memory_space<semaphore_mem>>) src(%dma_wait3A_59 : memref<10240x128xf32, #tpu.memory_space<hbm>>) dst(%arg8 : memref<80x128xf32, #tpu.memory_space<vmem>>)
        tpu.yield
      }) : () -> ()
      "tpu.region"() ({
        %run_scoped3A = tpu.sem_alloc : memref<!tpu.dma_semaphore, #tpu.memory_space<semaphore_mem>>
        %dma_start3A = arith.constant 0 : i32
        %dma_start3A_50 = tpu.memref_slice %arg7[%scan3A_49, %dma_start3A] : memref<125x80xi32, #tpu.memory_space<vmem>> -> memref<1x80xi32, #tpu.memory_space<vmem>>
        %dma_start3A_51 = tpu.memref_squeeze %dma_start3A_50 : memref<1x80xi32, #tpu.memory_space<vmem>> -> memref<80xi32, #tpu.memory_space<vmem>>
        %dma_start3A_52 = arith.constant 0 : i32
        %dma_start3A_53 = arith.constant 0 : i32
        %dma_start3A_54 = tpu.memref_slice %arg9[%dma_start3A_52, %dma_start3A_53] : memref<10240x128xf32, #tpu.memory_space<vmem_shared>> -> memref<10240x128xf32, #tpu.memory_space<vmem_shared>>
        tpu.enqueue_indirect_dma source(%arg8 : memref<80x128xf32, #tpu.memory_space<vmem>>) target(%dma_start3A_54 : memref<10240x128xf32, #tpu.memory_space<vmem_shared>>) offsets(%dma_start3A_51 : memref<80xi32, #tpu.memory_space<vmem>>) semaphore(%run_scoped3A : memref<!tpu.dma_semaphore, #tpu.memory_space<semaphore_mem>>) {add = true}
        %dma_wait3A = arith.constant 0 : i32
        %dma_wait3A_55 = tpu.memref_slice %arg7[%scan3A_49, %dma_wait3A] : memref<125x80xi32, #tpu.memory_space<vmem>> -> memref<1x80xi32, #tpu.memory_space<vmem>>
        %dma_wait3A_56 = tpu.memref_squeeze %dma_wait3A_55 : memref<1x80xi32, #tpu.memory_space<vmem>> -> memref<80xi32, #tpu.memory_space<vmem>>
        %dma_wait3A_57 = arith.constant 0 : i32
        %dma_wait3A_58 = arith.constant 0 : i32
        %dma_wait3A_59 = tpu.memref_slice %arg9[%dma_wait3A_57, %dma_wait3A_58] : memref<10240x128xf32, #tpu.memory_space<vmem_shared>> -> memref<10240x128xf32, #tpu.memory_space<vmem_shared>>
        tpu.wait_indirect_dma semaphore(%run_scoped3A : memref<!tpu.dma_semaphore, #tpu.memory_space<semaphore_mem>>) src(%arg8 : memref<80x128xf32, #tpu.memory_space<vmem>>) dst(%dma_wait3A_59 : memref<10240x128xf32, #tpu.memory_space<vmem_shared>>)
        tpu.yield
      }) : () -> ()
    }
    %scan3A_43 = arith.constant 125 : i32
    %barrier3A_44 = arith.constant 0 : index
    tpu.barrier barrier_id(%barrier3A_44)
    %mul3A_45 = arith.constant 640 : i32
    %mul3A_46 = arith.muli %arg1, %mul3A_45 : i32
    %mul3A_47 = arith.constant 640 : i32
    %mul3A_48 = arith.muli %arg1, %mul3A_47 : i32
    "tpu.region"() ({
      %run_scoped3A = tpu.sem_alloc : memref<!tpu.dma_semaphore, #tpu.memory_space<semaphore_mem>>
      %dma_start3A = arith.constant 0 : i32
      %dma_start3A_49 = tpu.memref_slice %arg5[%arg0, %mul3A_48, %dma_start3A] : memref<2x10240x128xf32, #tpu.memory_space<hbm>> -> memref<1x640x128xf32, #tpu.memory_space<hbm>>
      %dma_start3A_50 = tpu.memref_squeeze %dma_start3A_49 : memref<1x640x128xf32, #tpu.memory_space<hbm>> -> memref<640x128xf32, #tpu.memory_space<hbm>>
      %dma_start3A_51 = arith.constant 0 : i32
      %dma_start3A_52 = tpu.memref_slice %arg9[%mul3A_46, %dma_start3A_51] : memref<10240x128xf32, #tpu.memory_space<vmem_shared>> -> memref<640x128xf32, #tpu.memory_space<vmem_shared>>
      tpu.enqueue_dma source(%dma_start3A_52 : memref<640x128xf32, #tpu.memory_space<vmem_shared>>) target(%dma_start3A_50 : memref<640x128xf32, #tpu.memory_space<hbm>>) target_semaphore(%run_scoped3A : memref<!tpu.dma_semaphore, #tpu.memory_space<semaphore_mem>>)
      %dma_wait3A = arith.constant 0 : i32
      %dma_wait3A_53 = tpu.memref_slice %arg5[%arg0, %mul3A_48, %dma_wait3A] : memref<2x10240x128xf32, #tpu.memory_space<hbm>> -> memref<1x640x128xf32, #tpu.memory_space<hbm>>
      %dma_wait3A_54 = tpu.memref_squeeze %dma_wait3A_53 : memref<1x640x128xf32, #tpu.memory_space<hbm>> -> memref<640x128xf32, #tpu.memory_space<hbm>>
      %dma_wait3A_55 = arith.constant 0 : i32
      %dma_wait3A_56 = tpu.memref_slice %arg9[%mul3A_46, %dma_wait3A_55] : memref<10240x128xf32, #tpu.memory_space<vmem_shared>> -> memref<640x128xf32, #tpu.memory_space<vmem_shared>>
      tpu.wait_dma2 semaphore(%run_scoped3A : memref<!tpu.dma_semaphore, #tpu.memory_space<semaphore_mem>>) src(%dma_wait3A_56 : memref<640x128xf32, #tpu.memory_space<vmem_shared>>) dst(%dma_wait3A_54 : memref<640x128xf32, #tpu.memory_space<hbm>>)
      tpu.yield
    }) : () -> ()
    return
  }
}

module attributes {stable_mosaic.version = 14 : i64} {
  func.func @_tc1_body(%arg0: i32, %arg1: memref<1024x128xf32, #tpu.memory_space<vmem>>, %arg2: memref<128x128xf32, #tpu.memory_space<vmem>>, %arg3: memref<2x8x128xf32, #tpu.memory_space<vmem>>, %arg4: memref<1024x128xf32, #tpu.memory_space<vmem>>) attributes {dimension_semantics = [#tpu.dimension_semantics<arbitrary>], iteration_bounds = array<i64: 10>, scalar_prefetch = 0 : i64, scratch_operands = 0 : i64, tpu.core_type = #tpu.core_type<tc>, window_params = [{transform_indices = @transform_0, window_bounds = array<i64: 1024, 128>}, {pipeline_mode = #tpu.pipeline_mode<synchronous>, transform_indices = @transform_1, window_bounds = array<i64: 128, 128>}, {transform_indices = @transform_2, window_bounds = array<i64: 2, 8, 128>}, {transform_indices = @transform_3, window_bounds = array<i64: 1024, 128>}]} {
    %get3A = arith.constant 0 : index
    %get3A_0 = arith.constant 0 : index
    %get3A_1 = arith.constant 0 : index
    %get3A_2 = vector.load %arg3[%get3A, %get3A_0, %get3A_1] : memref<2x8x128xf32, #tpu.memory_space<vmem>>, vector<2x8x128xf32>
    %slice3A = vector.extract_strided_slice %get3A_2 {offsets = [0, 0, 0], sizes = [1, 8, 128], strides = [1, 1, 1]} : vector<2x8x128xf32> to vector<1x8x128xf32>
    %squeeze3A = vector.shape_cast %slice3A : vector<1x8x128xf32> to vector<8x128xf32>
    %slice3A_3 = vector.extract_strided_slice %get3A_2 {offsets = [1, 0, 0], sizes = [1, 8, 128], strides = [1, 1, 1]} : vector<2x8x128xf32> to vector<1x8x128xf32>
    %squeeze3A_4 = vector.shape_cast %slice3A_3 : vector<1x8x128xf32> to vector<8x128xf32>
    %add3A = arith.addf %squeeze3A, %squeeze3A_4 : vector<8x128xf32>
    %add3A_5 = arith.constant 1.000000e+00 : f32
    %add3A_6 = vector.broadcast %add3A_5 : f32 to vector<8x128xf32>
    %add3A_7 = arith.addf %add3A, %add3A_6 : vector<8x128xf32>
    %rsqrt3A = math.rsqrt %add3A_7 : vector<8x128xf32>
    %transpose3A = tpu.transpose %rsqrt3A, [1, 0] : vector<8x128xf32> -> vector<128x8xf32>
    %get3A_8 = arith.constant 0 : index
    %get3A_9 = arith.constant 0 : index
    %get3A_10 = vector.load %arg1[%get3A_8, %get3A_9] : memref<1024x128xf32, #tpu.memory_space<vmem>>, vector<1024x128xf32>
    %get3A_11 = arith.constant 0 : index
    %get3A_12 = arith.constant 0 : index
    %get3A_13 = vector.load %arg2[%get3A_11, %get3A_12] : memref<128x128xf32, #tpu.memory_space<vmem>>, vector<128x128xf32>
    %dot_general3A = arith.constant dense<0.000000e+00> : vector<1024x128xf32>
    %dot_general3A_14 = tpu.matmul %get3A_10, %get3A_13, %dot_general3A {dimension_numbers = #tpu.dot_dimension_numbers<[1], [0], [0], [1], [0, 0, 1, 1], [], []>, transpose_lhs_hint = false} : vector<1024x128xf32>, vector<128x128xf32>, vector<1024x128xf32> -> vector<1024x128xf32>
    %slice3A_15 = vector.extract_strided_slice %dot_general3A_14 {offsets = [0, 0], sizes = [128, 128], strides = [1, 1]} : vector<1024x128xf32> to vector<128x128xf32>
    %slice3A_16 = vector.extract_strided_slice %transpose3A {offsets = [0, 0], sizes = [128, 1], strides = [1, 1]} : vector<128x8xf32> to vector<128x1xf32>
    %mul3A = vector.broadcast %slice3A_16 : vector<128x1xf32> to vector<128x128xf32>
    %mul3A_17 = arith.mulf %slice3A_15, %mul3A : vector<128x128xf32>
    %swap3A = arith.constant 0 : index
    %swap3A_18 = arith.constant 0 : index
    %swap3A_19 = vector.load %arg4[%swap3A, %swap3A_18] : memref<1024x128xf32, #tpu.memory_space<vmem>>, vector<128x128xf32>
    tpu.vector_store %arg4[%swap3A, %swap3A_18], %mul3A_17 {strides = array<i32>} : memref<1024x128xf32, #tpu.memory_space<vmem>>, vector<128x128xf32>,
    %slice3A_20 = vector.extract_strided_slice %dot_general3A_14 {offsets = [128, 0], sizes = [128, 128], strides = [1, 1]} : vector<1024x128xf32> to vector<128x128xf32>
    %slice3A_21 = vector.extract_strided_slice %transpose3A {offsets = [0, 1], sizes = [128, 1], strides = [1, 1]} : vector<128x8xf32> to vector<128x1xf32>
    %mul3A_22 = vector.broadcast %slice3A_21 : vector<128x1xf32> to vector<128x128xf32>
    %mul3A_23 = arith.mulf %slice3A_20, %mul3A_22 : vector<128x128xf32>
    %swap3A_24 = arith.constant 128 : index
    %swap3A_25 = arith.constant 0 : index
    %swap3A_26 = vector.load %arg4[%swap3A_24, %swap3A_25] : memref<1024x128xf32, #tpu.memory_space<vmem>>, vector<128x128xf32>
    tpu.vector_store %arg4[%swap3A_24, %swap3A_25], %mul3A_23 {strides = array<i32>} : memref<1024x128xf32, #tpu.memory_space<vmem>>, vector<128x128xf32>,
    %slice3A_27 = vector.extract_strided_slice %dot_general3A_14 {offsets = [256, 0], sizes = [128, 128], strides = [1, 1]} : vector<1024x128xf32> to vector<128x128xf32>
    %slice3A_28 = vector.extract_strided_slice %transpose3A {offsets = [0, 2], sizes = [128, 1], strides = [1, 1]} : vector<128x8xf32> to vector<128x1xf32>
    %mul3A_29 = vector.broadcast %slice3A_28 : vector<128x1xf32> to vector<128x128xf32>
    %mul3A_30 = arith.mulf %slice3A_27, %mul3A_29 : vector<128x128xf32>
    %swap3A_31 = arith.constant 256 : index
    %swap3A_32 = arith.constant 0 : index
    %swap3A_33 = vector.load %arg4[%swap3A_31, %swap3A_32] : memref<1024x128xf32, #tpu.memory_space<vmem>>, vector<128x128xf32>
    tpu.vector_store %arg4[%swap3A_31, %swap3A_32], %mul3A_30 {strides = array<i32>} : memref<1024x128xf32, #tpu.memory_space<vmem>>, vector<128x128xf32>,
    %slice3A_34 = vector.extract_strided_slice %dot_general3A_14 {offsets = [384, 0], sizes = [128, 128], strides = [1, 1]} : vector<1024x128xf32> to vector<128x128xf32>
    %slice3A_35 = vector.extract_strided_slice %transpose3A {offsets = [0, 3], sizes = [128, 1], strides = [1, 1]} : vector<128x8xf32> to vector<128x1xf32>
    %mul3A_36 = vector.broadcast %slice3A_35 : vector<128x1xf32> to vector<128x128xf32>
    %mul3A_37 = arith.mulf %slice3A_34, %mul3A_36 : vector<128x128xf32>
    %swap3A_38 = arith.constant 384 : index
    %swap3A_39 = arith.constant 0 : index
    %swap3A_40 = vector.load %arg4[%swap3A_38, %swap3A_39] : memref<1024x128xf32, #tpu.memory_space<vmem>>, vector<128x128xf32>
    tpu.vector_store %arg4[%swap3A_38, %swap3A_39], %mul3A_37 {strides = array<i32>} : memref<1024x128xf32, #tpu.memory_space<vmem>>, vector<128x128xf32>,
    %slice3A_41 = vector.extract_strided_slice %dot_general3A_14 {offsets = [512, 0], sizes = [128, 128], strides = [1, 1]} : vector<1024x128xf32> to vector<128x128xf32>
    %slice3A_42 = vector.extract_strided_slice %transpose3A {offsets = [0, 4], sizes = [128, 1], strides = [1, 1]} : vector<128x8xf32> to vector<128x1xf32>
    %mul3A_43 = vector.broadcast %slice3A_42 : vector<128x1xf32> to vector<128x128xf32>
    %mul3A_44 = arith.mulf %slice3A_41, %mul3A_43 : vector<128x128xf32>
    %swap3A_45 = arith.constant 512 : index
    %swap3A_46 = arith.constant 0 : index
    %swap3A_47 = vector.load %arg4[%swap3A_45, %swap3A_46] : memref<1024x128xf32, #tpu.memory_space<vmem>>, vector<128x128xf32>
    tpu.vector_store %arg4[%swap3A_45, %swap3A_46], %mul3A_44 {strides = array<i32>} : memref<1024x128xf32, #tpu.memory_space<vmem>>, vector<128x128xf32>,
    %slice3A_48 = vector.extract_strided_slice %dot_general3A_14 {offsets = [640, 0], sizes = [128, 128], strides = [1, 1]} : vector<1024x128xf32> to vector<128x128xf32>
    %slice3A_49 = vector.extract_strided_slice %transpose3A {offsets = [0, 5], sizes = [128, 1], strides = [1, 1]} : vector<128x8xf32> to vector<128x1xf32>
    %mul3A_50 = vector.broadcast %slice3A_49 : vector<128x1xf32> to vector<128x128xf32>
    %mul3A_51 = arith.mulf %slice3A_48, %mul3A_50 : vector<128x128xf32>
    %swap3A_52 = arith.constant 640 : index
    %swap3A_53 = arith.constant 0 : index
    %swap3A_54 = vector.load %arg4[%swap3A_52, %swap3A_53] : memref<1024x128xf32, #tpu.memory_space<vmem>>, vector<128x128xf32>
    tpu.vector_store %arg4[%swap3A_52, %swap3A_53], %mul3A_51 {strides = array<i32>} : memref<1024x128xf32, #tpu.memory_space<vmem>>, vector<128x128xf32>,
    %slice3A_55 = vector.extract_strided_slice %dot_general3A_14 {offsets = [768, 0], sizes = [128, 128], strides = [1, 1]} : vector<1024x128xf32> to vector<128x128xf32>
    %slice3A_56 = vector.extract_strided_slice %transpose3A {offsets = [0, 6], sizes = [128, 1], strides = [1, 1]} : vector<128x8xf32> to vector<128x1xf32>
    %mul3A_57 = vector.broadcast %slice3A_56 : vector<128x1xf32> to vector<128x128xf32>
    %mul3A_58 = arith.mulf %slice3A_55, %mul3A_57 : vector<128x128xf32>
    %swap3A_59 = arith.constant 768 : index
    %swap3A_60 = arith.constant 0 : index
    %swap3A_61 = vector.load %arg4[%swap3A_59, %swap3A_60] : memref<1024x128xf32, #tpu.memory_space<vmem>>, vector<128x128xf32>
    tpu.vector_store %arg4[%swap3A_59, %swap3A_60], %mul3A_58 {strides = array<i32>} : memref<1024x128xf32, #tpu.memory_space<vmem>>, vector<128x128xf32>,
    %slice3A_62 = vector.extract_strided_slice %dot_general3A_14 {offsets = [896, 0], sizes = [128, 128], strides = [1, 1]} : vector<1024x128xf32> to vector<128x128xf32>
    %slice3A_63 = vector.extract_strided_slice %transpose3A {offsets = [0, 7], sizes = [128, 1], strides = [1, 1]} : vector<128x8xf32> to vector<128x1xf32>
    %mul3A_64 = vector.broadcast %slice3A_63 : vector<128x1xf32> to vector<128x128xf32>
    %mul3A_65 = arith.mulf %slice3A_62, %mul3A_64 : vector<128x128xf32>
    %swap3A_66 = arith.constant 896 : index
    %swap3A_67 = arith.constant 0 : index
    %swap3A_68 = vector.load %arg4[%swap3A_66, %swap3A_67] : memref<1024x128xf32, #tpu.memory_space<vmem>>, vector<128x128xf32>
    tpu.vector_store %arg4[%swap3A_66, %swap3A_67], %mul3A_65 {strides = array<i32>} : memref<1024x128xf32, #tpu.memory_space<vmem>>, vector<128x128xf32>,
    return
  }
  func.func @transform_0(%arg0: i32) -> (i32, i32) {
    %c0_i32 = arith.constant 0 : i32
    %c0_i32_0 = arith.constant 0 : i32
    return %arg0, %c0_i32 : i32, i32
  }
  func.func @transform_1(%arg0: i32) -> (i32, i32) {
    %c0_i32 = arith.constant 0 : i32
    %c0_i32_0 = arith.constant 0 : i32
    %c0_i32_1 = arith.constant 0 : i32
    return %c0_i32, %c0_i32_0 : i32, i32
  }
  func.func @transform_2(%arg0: i32) -> (i32, i32, i32) {
    %c0_i32 = arith.constant 0 : i32
    %c0_i32_0 = arith.constant 0 : i32
    %c0_i32_1 = arith.constant 0 : i32
    return %c0_i32, %arg0, %c0_i32_0 : i32, i32, i32
  }
  func.func @transform_3(%arg0: i32) -> (i32, i32) {
    %c0_i32 = arith.constant 0 : i32
    %c0_i32_0 = arith.constant 0 : i32
    return %arg0, %c0_i32 : i32, i32
  }
}

module attributes {stable_mosaic.version = 14 : i64} {
  func.func @_tc2_body(%arg0: i32, %arg1: memref<2x1024x128xf32, #tpu.memory_space<vmem>>, %arg2: memref<1024x128xf32, #tpu.memory_space<vmem>>, %arg3: memref<2x8x128xf32, #tpu.memory_space<vmem>>, %arg4: memref<128xf32, #tpu.memory_space<vmem>>, %arg5: memref<1024x128xf32, #tpu.memory_space<vmem>>) attributes {dimension_semantics = [#tpu.dimension_semantics<arbitrary>], iteration_bounds = array<i64: 10>, scalar_prefetch = 0 : i64, scratch_operands = 0 : i64, tpu.core_type = #tpu.core_type<tc>, window_params = [{transform_indices = @transform_0, window_bounds = array<i64: 2, 1024, 128>}, {transform_indices = @transform_1, window_bounds = array<i64: 1024, 128>}, {transform_indices = @transform_2, window_bounds = array<i64: 2, 8, 128>}, {pipeline_mode = #tpu.pipeline_mode<synchronous>, transform_indices = @transform_3, window_bounds = array<i64: 128>}, {transform_indices = @transform_4, window_bounds = array<i64: 1024, 128>}]} {
    %get3A = arith.constant 0 : index
    %get3A_0 = arith.constant 0 : index
    %get3A_1 = arith.constant 0 : index
    %get3A_2 = vector.load %arg3[%get3A, %get3A_0, %get3A_1] : memref<2x8x128xf32, #tpu.memory_space<vmem>>, vector<2x8x128xf32>
    %slice3A = vector.extract_strided_slice %get3A_2 {offsets = [0, 0, 0], sizes = [1, 8, 128], strides = [1, 1, 1]} : vector<2x8x128xf32> to vector<1x8x128xf32>
    %squeeze3A = vector.shape_cast %slice3A : vector<1x8x128xf32> to vector<8x128xf32>
    %slice3A_3 = vector.extract_strided_slice %get3A_2 {offsets = [1, 0, 0], sizes = [1, 8, 128], strides = [1, 1, 1]} : vector<2x8x128xf32> to vector<1x8x128xf32>
    %squeeze3A_4 = vector.shape_cast %slice3A_3 : vector<1x8x128xf32> to vector<8x128xf32>
    %add3A = arith.addf %squeeze3A, %squeeze3A_4 : vector<8x128xf32>
    %add3A_5 = arith.constant 1.000000e+00 : f32
    %add3A_6 = vector.broadcast %add3A_5 : f32 to vector<8x128xf32>
    %add3A_7 = arith.addf %add3A, %add3A_6 : vector<8x128xf32>
    %rsqrt3A = math.rsqrt %add3A_7 : vector<8x128xf32>
    %transpose3A = tpu.transpose %rsqrt3A, [1, 0] : vector<8x128xf32> -> vector<128x8xf32>
    %get3A_8 = arith.constant 0 : index
    %get3A_9 = arith.constant 0 : index
    %get3A_10 = arith.constant 0 : index
    %get3A_11 = vector.load %arg1[%get3A_8, %get3A_9, %get3A_10] : memref<2x1024x128xf32, #tpu.memory_space<vmem>>, vector<1x1024x128xf32>
    %get3A_12 = vector.shape_cast %get3A_11 : vector<1x1024x128xf32> to vector<1024x128xf32>
    %get3A_13 = arith.constant 1 : index
    %get3A_14 = arith.constant 0 : index
    %get3A_15 = arith.constant 0 : index
    %get3A_16 = vector.load %arg1[%get3A_13, %get3A_14, %get3A_15] : memref<2x1024x128xf32, #tpu.memory_space<vmem>>, vector<1x1024x128xf32>
    %get3A_17 = vector.shape_cast %get3A_16 : vector<1x1024x128xf32> to vector<1024x128xf32>
    %add3A_18 = arith.addf %get3A_12, %get3A_17 : vector<1024x128xf32>
    %get3A_19 = arith.constant 0 : index
    %get3A_20 = arith.constant 0 : index
    %get3A_21 = vector.load %arg2[%get3A_19, %get3A_20] : memref<1024x128xf32, #tpu.memory_space<vmem>>, vector<1024x128xf32>
    %add3A_22 = arith.addf %add3A_18, %get3A_21 : vector<1024x128xf32>
    %get3A_23 = arith.constant 0 : index
    %get3A_24 = vector.load %arg4[%get3A_23] : memref<128xf32, #tpu.memory_space<vmem>>, vector<128xf32>
    %broadcast_in_dim3A = vector.shape_cast %get3A_24 : vector<128xf32> to vector<1x128xf32>
    %slice3A_25 = vector.extract_strided_slice %add3A_22 {offsets = [0, 0], sizes = [128, 128], strides = [1, 1]} : vector<1024x128xf32> to vector<128x128xf32>
    %slice3A_26 = vector.extract_strided_slice %transpose3A {offsets = [0, 0], sizes = [128, 1], strides = [1, 1]} : vector<128x8xf32> to vector<128x1xf32>
    %mul3A = vector.broadcast %slice3A_26 : vector<128x1xf32> to vector<128x128xf32>
    %mul3A_27 = arith.mulf %slice3A_25, %mul3A : vector<128x128xf32>
    %add3A_28 = vector.broadcast %broadcast_in_dim3A : vector<1x128xf32> to vector<128x128xf32>
    %add3A_29 = arith.addf %mul3A_27, %add3A_28 : vector<128x128xf32>
    %swap3A = arith.constant 0 : index
    %swap3A_30 = arith.constant 0 : index
    %swap3A_31 = vector.load %arg5[%swap3A, %swap3A_30] : memref<1024x128xf32, #tpu.memory_space<vmem>>, vector<128x128xf32>
    tpu.vector_store %arg5[%swap3A, %swap3A_30], %add3A_29 {strides = array<i32>} : memref<1024x128xf32, #tpu.memory_space<vmem>>, vector<128x128xf32>,
    %slice3A_32 = vector.extract_strided_slice %add3A_22 {offsets = [128, 0], sizes = [128, 128], strides = [1, 1]} : vector<1024x128xf32> to vector<128x128xf32>
    %slice3A_33 = vector.extract_strided_slice %transpose3A {offsets = [0, 1], sizes = [128, 1], strides = [1, 1]} : vector<128x8xf32> to vector<128x1xf32>
    %mul3A_34 = vector.broadcast %slice3A_33 : vector<128x1xf32> to vector<128x128xf32>
    %mul3A_35 = arith.mulf %slice3A_32, %mul3A_34 : vector<128x128xf32>
    %add3A_36 = vector.broadcast %broadcast_in_dim3A : vector<1x128xf32> to vector<128x128xf32>
    %add3A_37 = arith.addf %mul3A_35, %add3A_36 : vector<128x128xf32>
    %swap3A_38 = arith.constant 128 : index
    %swap3A_39 = arith.constant 0 : index
    %swap3A_40 = vector.load %arg5[%swap3A_38, %swap3A_39] : memref<1024x128xf32, #tpu.memory_space<vmem>>, vector<128x128xf32>
    tpu.vector_store %arg5[%swap3A_38, %swap3A_39], %add3A_37 {strides = array<i32>} : memref<1024x128xf32, #tpu.memory_space<vmem>>, vector<128x128xf32>,
    %slice3A_41 = vector.extract_strided_slice %add3A_22 {offsets = [256, 0], sizes = [128, 128], strides = [1, 1]} : vector<1024x128xf32> to vector<128x128xf32>
    %slice3A_42 = vector.extract_strided_slice %transpose3A {offsets = [0, 2], sizes = [128, 1], strides = [1, 1]} : vector<128x8xf32> to vector<128x1xf32>
    %mul3A_43 = vector.broadcast %slice3A_42 : vector<128x1xf32> to vector<128x128xf32>
    %mul3A_44 = arith.mulf %slice3A_41, %mul3A_43 : vector<128x128xf32>
    %add3A_45 = vector.broadcast %broadcast_in_dim3A : vector<1x128xf32> to vector<128x128xf32>
    %add3A_46 = arith.addf %mul3A_44, %add3A_45 : vector<128x128xf32>
    %swap3A_47 = arith.constant 256 : index
    %swap3A_48 = arith.constant 0 : index
    %swap3A_49 = vector.load %arg5[%swap3A_47, %swap3A_48] : memref<1024x128xf32, #tpu.memory_space<vmem>>, vector<128x128xf32>
    tpu.vector_store %arg5[%swap3A_47, %swap3A_48], %add3A_46 {strides = array<i32>} : memref<1024x128xf32, #tpu.memory_space<vmem>>, vector<128x128xf32>,
    %slice3A_50 = vector.extract_strided_slice %add3A_22 {offsets = [384, 0], sizes = [128, 128], strides = [1, 1]} : vector<1024x128xf32> to vector<128x128xf32>
    %slice3A_51 = vector.extract_strided_slice %transpose3A {offsets = [0, 3], sizes = [128, 1], strides = [1, 1]} : vector<128x8xf32> to vector<128x1xf32>
    %mul3A_52 = vector.broadcast %slice3A_51 : vector<128x1xf32> to vector<128x128xf32>
    %mul3A_53 = arith.mulf %slice3A_50, %mul3A_52 : vector<128x128xf32>
    %add3A_54 = vector.broadcast %broadcast_in_dim3A : vector<1x128xf32> to vector<128x128xf32>
    %add3A_55 = arith.addf %mul3A_53, %add3A_54 : vector<128x128xf32>
    %swap3A_56 = arith.constant 384 : index
    %swap3A_57 = arith.constant 0 : index
    %swap3A_58 = vector.load %arg5[%swap3A_56, %swap3A_57] : memref<1024x128xf32, #tpu.memory_space<vmem>>, vector<128x128xf32>
    tpu.vector_store %arg5[%swap3A_56, %swap3A_57], %add3A_55 {strides = array<i32>} : memref<1024x128xf32, #tpu.memory_space<vmem>>, vector<128x128xf32>,
    %slice3A_59 = vector.extract_strided_slice %add3A_22 {offsets = [512, 0], sizes = [128, 128], strides = [1, 1]} : vector<1024x128xf32> to vector<128x128xf32>
    %slice3A_60 = vector.extract_strided_slice %transpose3A {offsets = [0, 4], sizes = [128, 1], strides = [1, 1]} : vector<128x8xf32> to vector<128x1xf32>
    %mul3A_61 = vector.broadcast %slice3A_60 : vector<128x1xf32> to vector<128x128xf32>
    %mul3A_62 = arith.mulf %slice3A_59, %mul3A_61 : vector<128x128xf32>
    %add3A_63 = vector.broadcast %broadcast_in_dim3A : vector<1x128xf32> to vector<128x128xf32>
    %add3A_64 = arith.addf %mul3A_62, %add3A_63 : vector<128x128xf32>
    %swap3A_65 = arith.constant 512 : index
    %swap3A_66 = arith.constant 0 : index
    %swap3A_67 = vector.load %arg5[%swap3A_65, %swap3A_66] : memref<1024x128xf32, #tpu.memory_space<vmem>>, vector<128x128xf32>
    tpu.vector_store %arg5[%swap3A_65, %swap3A_66], %add3A_64 {strides = array<i32>} : memref<1024x128xf32, #tpu.memory_space<vmem>>, vector<128x128xf32>,
    %slice3A_68 = vector.extract_strided_slice %add3A_22 {offsets = [640, 0], sizes = [128, 128], strides = [1, 1]} : vector<1024x128xf32> to vector<128x128xf32>
    %slice3A_69 = vector.extract_strided_slice %transpose3A {offsets = [0, 5], sizes = [128, 1], strides = [1, 1]} : vector<128x8xf32> to vector<128x1xf32>
    %mul3A_70 = vector.broadcast %slice3A_69 : vector<128x1xf32> to vector<128x128xf32>
    %mul3A_71 = arith.mulf %slice3A_68, %mul3A_70 : vector<128x128xf32>
    %add3A_72 = vector.broadcast %broadcast_in_dim3A : vector<1x128xf32> to vector<128x128xf32>
    %add3A_73 = arith.addf %mul3A_71, %add3A_72 : vector<128x128xf32>
    %swap3A_74 = arith.constant 640 : index
    %swap3A_75 = arith.constant 0 : index
    %swap3A_76 = vector.load %arg5[%swap3A_74, %swap3A_75] : memref<1024x128xf32, #tpu.memory_space<vmem>>, vector<128x128xf32>
    tpu.vector_store %arg5[%swap3A_74, %swap3A_75], %add3A_73 {strides = array<i32>} : memref<1024x128xf32, #tpu.memory_space<vmem>>, vector<128x128xf32>,
    %slice3A_77 = vector.extract_strided_slice %add3A_22 {offsets = [768, 0], sizes = [128, 128], strides = [1, 1]} : vector<1024x128xf32> to vector<128x128xf32>
    %slice3A_78 = vector.extract_strided_slice %transpose3A {offsets = [0, 6], sizes = [128, 1], strides = [1, 1]} : vector<128x8xf32> to vector<128x1xf32>
    %mul3A_79 = vector.broadcast %slice3A_78 : vector<128x1xf32> to vector<128x128xf32>
    %mul3A_80 = arith.mulf %slice3A_77, %mul3A_79 : vector<128x128xf32>
    %add3A_81 = vector.broadcast %broadcast_in_dim3A : vector<1x128xf32> to vector<128x128xf32>
    %add3A_82 = arith.addf %mul3A_80, %add3A_81 : vector<128x128xf32>
    %swap3A_83 = arith.constant 768 : index
    %swap3A_84 = arith.constant 0 : index
    %swap3A_85 = vector.load %arg5[%swap3A_83, %swap3A_84] : memref<1024x128xf32, #tpu.memory_space<vmem>>, vector<128x128xf32>
    tpu.vector_store %arg5[%swap3A_83, %swap3A_84], %add3A_82 {strides = array<i32>} : memref<1024x128xf32, #tpu.memory_space<vmem>>, vector<128x128xf32>,
    %slice3A_86 = vector.extract_strided_slice %add3A_22 {offsets = [896, 0], sizes = [128, 128], strides = [1, 1]} : vector<1024x128xf32> to vector<128x128xf32>
    %slice3A_87 = vector.extract_strided_slice %transpose3A {offsets = [0, 7], sizes = [128, 1], strides = [1, 1]} : vector<128x8xf32> to vector<128x1xf32>
    %mul3A_88 = vector.broadcast %slice3A_87 : vector<128x1xf32> to vector<128x128xf32>
    %mul3A_89 = arith.mulf %slice3A_86, %mul3A_88 : vector<128x128xf32>
    %add3A_90 = vector.broadcast %broadcast_in_dim3A : vector<1x128xf32> to vector<128x128xf32>
    %add3A_91 = arith.addf %mul3A_89, %add3A_90 : vector<128x128xf32>
    %swap3A_92 = arith.constant 896 : index
    %swap3A_93 = arith.constant 0 : index
    %swap3A_94 = vector.load %arg5[%swap3A_92, %swap3A_93] : memref<1024x128xf32, #tpu.memory_space<vmem>>, vector<128x128xf32>
    tpu.vector_store %arg5[%swap3A_92, %swap3A_93], %add3A_91 {strides = array<i32>} : memref<1024x128xf32, #tpu.memory_space<vmem>>, vector<128x128xf32>,
    return
  }
  func.func @transform_0(%arg0: i32) -> (i32, i32, i32) {
    %c0_i32 = arith.constant 0 : i32
    %c0_i32_0 = arith.constant 0 : i32
    %c0_i32_1 = arith.constant 0 : i32
    return %c0_i32, %arg0, %c0_i32_0 : i32, i32, i32
  }
  func.func @transform_1(%arg0: i32) -> (i32, i32) {
    %c0_i32 = arith.constant 0 : i32
    %c0_i32_0 = arith.constant 0 : i32
    return %arg0, %c0_i32 : i32, i32
  }
  func.func @transform_2(%arg0: i32) -> (i32, i32, i32) {
    %c0_i32 = arith.constant 0 : i32
    %c0_i32_0 = arith.constant 0 : i32
    %c0_i32_1 = arith.constant 0 : i32
    return %c0_i32, %arg0, %c0_i32_0 : i32, i32, i32
  }
  func.func @transform_3(%arg0: i32) -> i32 {
    %c0_i32 = arith.constant 0 : i32
    %c0_i32_0 = arith.constant 0 : i32
    return %c0_i32 : i32
  }
  func.func @transform_4(%arg0: i32) -> (i32, i32) {
    %c0_i32 = arith.constant 0 : i32
    %c0_i32_0 = arith.constant 0 : i32
    return %arg0, %c0_i32 : i32, i32
  }
}

</mosaic_0001>

<sc_bundles>
// kernel: kernel.6.cloned.1.call-start
scs
__scs_entry_jumppad:
0x0: {  	(pc) =	sbr.rel $0x88, $3  }
0x1: {  	(tag) =	ssettag $0x0;
	lr =	simm.s32 $0x1  }
0x2: {  	[smem:$0x3F9D] =	sst lr;
	_ =	strace $0xD0000000  }
0x3: {  	_ = 	snop  }
0x4: {  	_ = 	snop  }
0x5: {  	_ = 	snop  }
0x6: {  	_ = 	snop  }
0x7: {  	_ = 	snop  }
__scs_overlays_trampoline_lowered:
0x8: {  	[smem:$0x3FAC] =	sst s0  }
0x9: {  	[smem:$0x3FAD] =	sst s1  }
0xa: {  	[smem:$0x3FAE] =	sst s2  }
0xb: {  	[smem:$0x3FAF] =	sst s3  }
0xc: {  	[smem:$0x3FB0] =	sst s4  }
0xd: {  	[smem:$0x3FB1] =	sst s5  }
0xe: {  	[smem:$0x3FB2] =	sst s6  }
0xf: {  	[smem:$0x3FB3] =	sst s7  }
0x10: {  	[smem:$0x3FB4] =	sst s8  }
0x11: {  	[smem:$0x3FB5] =	sst s9;
	s0 =	simm.s32 @!p0 $0x0  }
0x12: {  	s1 =	sld [smem:$0x3F9B];
	s0 =	simm.s32 @p0 $0x1  }
0x13: {  	[smem:$0x3FB6] =	sst s0;
	s0 =	simm.s32 @!p1 $0x0  }
0x14: {  	s2 =	sld [smem:$0x3F9A];
	s0 =	simm.s32 @p1 $0x1  }
0x15: {  	[smem:$0x3FB7] =	sst s0;
	s0 =	simm.s32 @!p2 $0x0  }
0x16: {  	s3 =	sld [smem:$0x3FDB];
	s0 =	simm.s32 @p2 $0x1  }
0x17: {  	s4 =	simm.s32 $0x1BF5;
	[smem:$0x3FB9] =	sst s0  }
0x18: {  	s0 =	sld [smem:$0x3F9C];
	_ =	swait.ge [sflag:s4], $0x0  }
0x19: {  	s7 =	sld [smem:$0x3F9D]  }
0x1a: {  	s8 =	sadd.s32 $0xFFFFE003, lr  }
0x1b: {  	s9 =	sadd.s32 $0xFFFFFEF7, lr;
	s5 =	simm.s32 $0xFFFFFFFF;
	p2 =	slt.u32 s8, $0xFFFFF086  }
0x1c: {  	p1 =	slt.u32 s9, $0xF7A;
	s5 =	simm.s32 @!p2 $0x0  }
0x1d: {  	s5 =	simm.s32 @p1 $0x1;
	p0 =	seq.s32 s7, s2  }
0x1e: {  	s7 =	smul.u32 @!p0 $0xF7A, s2;
	p2 =	seq.s32 @!p0 s5, $0x0  }
0x1f: {  	s9 =	smul.u32 $0xF7A, s1;
	s8 =	simm.s32 @!p0 $0x1BF5;
	p2 =	por !p2, p0  }
0x20: {  	[sflag:s8] =	ssyncset.s32 @!p0 $0xFFFFF086;
	s6 =	sadd.s32 @!p0 s3, s7;
	s7 =	simm.s32 @!p0 $0x108  }
0x21: {  	s3 =	sadd.s32 s3, s9;
	s6 =	sadd.s32 @!p0 $0x88, s6;
	s7 =	simm.s32 @p2 $0x1082  }
0x22: {  	[simem:s7], [sflag:s8] =	dma.local @!p0 [hbm:s6], $0xF7A  }
0x23: {  	s9 =	sor.u32 $0xD0000000, s2;
	s6 =	simm.s32 $0x108;
	_ =	swait.ge @!p0 [sflag:s8], $0x0  }
0x24: {  	s3 =	sadd.s32 $0x88, s3;
	s6 =	simm.s32 @!p1 $0x1082;
	[sflag:s4] =	ssyncset.s32 $0xFFFFF086  }
0x25: {  	[simem:s6], [sflag:s4] =	dma.local [hbm:s3], $0xF7A  }
0x26: {  	[smem:$0x3F9D] =	sst s1;
	(tag) =	ssettag s2;
	_ =	strace s9  }
0x27: {  	s1 =	sld [smem:$0x3FAD]  }
0x28: {  	s2 =	sld [smem:$0x3FAE]  }
0x29: {  	s4 =	sld [smem:$0x3FB0]  }
0x2a: {  	p0 =	seq.s32 s5, $0x0;
	s5 =	sld [smem:$0x3FB1]  }
0x2b: {  	s6 =	sld [smem:$0x3FB2]  }
0x2c: {  	s7 =	sld [smem:$0x3FB3]  }
0x2d: {  	s3 =	simm.s32 $0x108;
	s8 =	sld [smem:$0x3FB4]  }
0x2e: {  	s3 =	simm.s32 @!p0 $0x1082;
	s9 =	sld [smem:$0x3FB5]  }
0x2f: {  	lr =	sadd.s32 s0, s3;
	s0 =	sld [smem:$0x3FAC]  }
0x30: {  	s3 =	sld [smem:$0x3FAF]  }
0x31: {  	[smem:$0x3FB8] =	sst s10  }
0x32: {  	s10 =	sld [smem:$0x3FB6];
	_ =	sdelay $0x3  }
0x33: {  	p0 =	seq.s32 s10, $0x1;
	s10 =	sld [smem:$0x3FB8];
	_ =	sdelay $0x3  }
0x34: {  	[smem:$0x3FB8] =	sst s10  }
0x35: {  	s10 =	sld [smem:$0x3FB7];
	_ =	sdelay $0x3  }
0x36: {  	p1 =	seq.s32 s10, $0x1;
	s10 =	sld [smem:$0x3FB8];
	_ =	sdelay $0x3  }
0x37: {  	[smem:$0x3FB8] =	sst s10  }
0x38: {  	s10 =	sld [smem:$0x3FB9]  }
0x39: {  	_ = 	snop;
	(pc) =	sbr.ind lr, $3  }
0x3a: {  	_ = 	snop  }
0x3b: {  	_ = 	snop  }
0x3c: {  	p2 =	seq.s32 s10, $0x1;
	s10 =	sld [smem:$0x3FB8]  }
0x3d: {  	_ =	shalt  }
0x3e: {  	_ =	shalt  }
0x3f: {  	_ =	shalt  }
0x40: {  	_ =	shalt  }
0x41: {  	_ =	shalt  }
0x42: {  	_ =	shalt  }
0x43: {  	_ =	shalt  }
0x44: {  	_ =	shalt  }
0x45: {  	_ =	shalt  }
0x46: {  	_ =	shalt  }
0x47: {  	_ =	shalt  }
0x48: {  	_ =	shalt  }
0x49: {  	_ =	shalt  }
0x4a: {  	_ =	shalt  }
0x4b: {  	_ =	shalt  }
0x4c: {  	_ =	shalt  }
0x4d: {  	_ =	shalt  }
0x4e: {  	_ =	shalt  }
0x4f: {  	_ =	shalt  }
0x50: {  	_ =	shalt  }
0x51: {  	_ =	shalt  }
0x52: {  	_ =	shalt  }
0x53: {  	_ =	shalt  }
0x54: {  	_ =	shalt  }
0x55: {  	_ =	shalt  }
0x56: {  	_ =	shalt  }
0x57: {  	_ =	shalt  }
0x58: {  	_ =	shalt  }
0x59: {  	_ =	shalt  }
0x5a: {  	_ =	shalt  }
0x5b: {  	_ =	shalt  }
0x5c: {  	_ =	shalt  }
0x5d: {  	_ =	shalt  }
0x5e: {  	_ =	shalt  }
0x5f: {  	_ =	shalt  }
0x60: {  	_ =	shalt  }
0x61: {  	_ =	shalt  }
0x62: {  	_ =	shalt  }
0x63: {  	_ =	shalt  }
0x64: {  	_ =	shalt  }
0x65: {  	_ =	shalt  }
0x66: {  	_ =	shalt  }
0x67: {  	_ =	shalt  }
0x68: {  	_ =	shalt  }
0x69: {  	_ =	shalt  }
0x6a: {  	_ =	shalt  }
0x6b: {  	_ =	shalt  }
0x6c: {  	_ =	shalt  }
0x6d: {  	_ =	shalt  }
0x6e: {  	_ =	shalt  }
0x6f: {  	_ =	shalt  }
0x70: {  	_ =	shalt  }
0x71: {  	_ =	shalt  }
0x72: {  	_ =	shalt  }
0x73: {  	_ =	shalt  }
0x74: {  	_ =	shalt  }
0x75: {  	_ =	shalt  }
0x76: {  	_ =	shalt  }
0x77: {  	_ =	shalt  }
0x78: {  	_ =	shalt  }
0x79: {  	_ =	shalt  }
0x7a: {  	_ =	shalt  }
0x7b: {  	_ =	shalt  }
0x7c: {  	_ =	shalt  }
0x7d: {  	_ =	shalt  }
0x7e: {  	_ =	shalt  }
0x7f: {  	_ =	shalt  }
0x80: {  	_ =	shalt  }
0x81: {  	_ =	shalt  }
0x82: {  	_ =	shalt  }
0x83: {  	_ =	shalt  }
0x84: {  	_ =	shalt  }
0x85: {  	_ =	shalt  }
0x86: {  	_ =	shalt  }
0x87: {  	_ =	shalt  }
.Lfunc_end0:
.L_simem_size_0:
called_computation_lowered:
.L_overlay_start_0:
0x88: {  	s2 =	sld [smem:$0x3FD9]  }
0x89: {  	s3 =	sld [smem:$0x3FFE];
	_ =	sdelay $0x1  }
0x8a: {  	s1 =	srdreg.scid  }
0x8b: {  	s0 =	sand.u32 $0x1, s1  }
0x8c: {  	s16 =	sshll.u32 s0, $0xA;
	s2 =	sadd.s32 s3, s2  }
0x8d: {  	s2 =	sadd.s32 s2, s16  }
0x8e: {  	[smem:$0x3FC4] =	sst s2  }
0x8f: {  	_ = 	snop  }
0x90: {  	(tm) =	ssettm $0x1  }
0x91: {  	s17 =	sld [smem:$0x3FFB];
	_ =	sdelay $0x3  }
0x92: {  	_ =	strace s17  }
0x93: {  	s2 =	sld [smem:$0x3FFC];
	_ =	sdelay $0x3  }
0x94: {  	_ =	strace s2  }
0x95: {  	s2 =	sld [smem:$0x3FFD];
	_ =	sdelay $0x3  }
0x96: {  	_ =	strace s2  }
0x97: {  	_ =	strace $0x8FFFFFFF  }
0x98: {  	s18 =	sld [smem:$0x3FDB];
	_ =	sdelay $0x1  }
0x99: {  	s19 =	simm.s32 $_scs_section_size  }
0x9a: {  	s4 =	simm.s32 $_size__tile_overlayer_lowered;
	s5 =	simm.s32 $_tile_overlayer_lowered  }
0x9b: {  	s22 =	simm.s32 $0x1BFF;
	s21 =	sshll.u32 s5, $0x1;
	s2 =	sadd.s32 s19, s18  }
0x9c: {  	s6 =	simm.s32 $0x0;
	s20 =	sshll.u32 s4, $0x1;
	s4 =	sadd.s32 s21, s2  }
0x9d: {  	[timem:s6], [sflag:s22] =	dma.local [hbm:s4], s20  }
0x9e: {  	_ =	swait.ge [sflag:s22], s20  }
0x9f: {  	s3 =	ssub.s32 $0x0, s20;
	[sflag:s22] =	ssyncset.done $0x0  }
0xa0: {  	[sflag:s22] =	ssyncadd.s32 s3;
	_ =	sdelay $0x1  }
0xa1: {  	s23 =	simm.s32 $0x1B8B  }
0xa2: {  	_ =	swait.ge [sflag:s23], $0x1  }
0xa3: {  	[sflag:s23] =	ssyncset.done $0x0  }
0xa4: {  	s25 =	simm.s32 $0x1B8E;
	s24 =	sld [smem:$0x3FFE];
	[sflag:s23] =	ssyncadd.s32 $0xFFFFFFFF  }
0xa5: {  	s26 =	simm.s32 $execute0_lowered;
	[smem:$0x3FD2] =	sst s25  }
0xa6: {  	s4 =	sshll.u32 s26, $0x1;
	_ =	strace $0x80000046;
	[dreg:$0x1] =	wrdreg $0xFFFFFFFF  }
0xa7: {  	s28 =	simm.s32 $_size_execute0_lowered;
	s2 =	sadd.s32 s2, s4;
	[dreg:$0x0] =	wrdreg $0x0  }
0xa8: {  	s4 =	sshll.u32 s28, $0x1;
	[dreg:$0x2] =	wrdreg s2  }
0xa9: {  	[dreg:$0x3] =	wrdreg s4  }
0xaa: {  	[dreg:$0x4] =	wrdreg $0xC0  }
0xab: {  	_ =	task [dreg:s6], $0x5FFFF  }
0xac: {  	[dreg:$0x1] =	wrdreg $0xFFFFFFFF  }
0xad: {  	[dreg:$0x0] =	wrdreg $0x60  }
0xae: {  	[dreg:$0x2] =	wrdreg s24  }
0xaf: {  	[dreg:$0x3] =	wrdreg $0x50000  }
0xb0: {  	[dreg:$0x4] =	wrdreg $0x9  }
0xb1: {  	_ =	task.clear_ibuf [dreg:s6], $0x5FFFF;
	_ =	strace $0x90000046  }
0xb2: {  	s29 =	simm.s32 $0x9;
	_ =	strace $0x80000048  }
0xb3: {  	_ =	swait.ge [sflag:s29], $0x1  }
0xb4: {  	[sflag:s29] =	ssyncadd.s32 $0xFFFFFFFF  }
0xb5: {  	_ =	strace $0x90000048  }
0xb6: {  	_ =	sfence  }
0xb7: {  	s30 =	sld [smem:$0x0];
	_ =	sdelay $0x2  }
0xb8: {  	s31 =	sshll.u32 s1, $0xD;
	s1 =	sshrl.u32 s1, $0x2  }
0xb9: {  	s3 =	sand.u32 $0x4000, s31;
	s1 =	sadd.s32 s1, s30  }
0xba: {  	s0 =	sor.u32 s3, s0;
	s1 =	sshll.u32 s1, $0x11  }
0xbb: {  	s0 =	sor.u32 s1, s0  }
0xbc: {  	s0 =	sadd.s32 $0x8F2B, s0  }
0xbd: {  	[sflag:s0] =	ssyncadd.remote.s32 $0x1  }
0xbe: {  	_ =	sfence.sel $0xFFFF  }
0xbf: {  	[dreg:$0x0] =	wrdreg $0xFFFFFFFF;
	(pc) =	sbr.abs _section_cstart, $3  }
0xc0: {  	[dreg:$0x1] =	wrdreg $0xFFFFFFFF  }
0xc1: {  	_ =	task.clear_ibuf [dreg:s6], $0x2FFFF;
	_ =	strace $0x9FFFFFFF  }
0xc2: {  	(tm) =	ssettm $0x7FFFFFFF  }
0xc3: {  	_ =	shalt  }
tec
execute0_lowered:
.L_overlay_start_1:
0x0: {  	(tag) =	ssettag $0x1  }
0x1: {  	s5 =	rddreg [dreg:$0x0]  }
0x2: {  	s0 =	srdreg.scid;
	s2 =	rddreg [dreg:$0x1]  }
0x3: {  	s3 =	simm.s32 $0x0;
	s10 =	simm.s32 $0x1;
	s11 =	simm.s32 $0x2780  }
0x4: {  	s12 =	simm.s32 $0x50;
	s13 =	simm.s32 $0x4F80;
	s16 =	simm.s32 $0x0  }
0x5: {  	s4 =	sand.u32 $0x1, s0;
	s0 =	stileid.u32;
	[smem:$0x7FF] =	sst s3  }
0x6: {  	s1 =	sshll.u32 s4, $0x4;
	s7 =	sshll.u32 s0, $0x7;
	s28 =	ssub.s32 $0x2, s4  }
0x7: {  	s30 =	sshll.u32 s0, $0xA;
	s9 =	sshll.u32 s4, $0xB;
	s1 =	sor.u32 s0, s1  }
0x8: {  	s14 =	sshll.u32 s0, $0x6;
	s8 =	sand.u32 $0x380, s7;
	s1 =	sshrl.u32 s1, $0x3  }
0x9: {  	s7 =	sadd.s32 s7, s5;
	s29 =	sshrl.u32 s28, $0x1;
	s6 =	smul.u32 $0x13C00, s1  }
0xa: {  	s14 =	sor.u32 $0x1C01, s14;
	s31 =	sadd.s32 s9, s7;
	s9 =	simm.s32 $0x400  }
0xb: {  	s1 =	rddreg [dreg:$0x2];
	s6 =	sor.u32 s8, s6;
	s8 =	ssub.s32 s28, s29  }
0xc: {  	v0 =	vlaneseq.u32;
	_ =	strace $0x80000047;
	s6 =	sshrl.u32 s6, $0x3;
	s7 =	smax.u32 s8, $0x1  }
0xd: {  	v1 =	vimm.f32 $0.0e+00;
	v6 =	vimm.f32 $1.000000000e+00;
	v2 =	vor.u32 $0x10, v0;
	s8 =	simm.s32 $0x80;
	s6 =	sadd.s32 s6, s5;
	s5 =	sadd.s32 s30, s2  }
0xe: {  	v3 =	vor.u32 $0x20, v0;
	v4 =	vor.u32 $0x30, v0;
	v5 =	vor.u32 $0x40, v0;
	s4 =	sadd.s32 $0x1400, s6;
	s6 =	sadd.s32 $0xB200, s31;
	s15 =	sshrl.u32 s5, $0x3  }
.LBB2_1:
0xf: {  	[tilespmem:s3], [sflag:$0x1] =	stream.strided.gather [hbm4b:s4+s8], $0x2780, s9, s8, $0x38;
	[tilespmem:$0x5400] =	vst v63  }
0x10: {  	_ =	swait.ge [sflag:s10], $0x2780  }
0x11: {  	[sflag:s10] =	ssyncset.done $0x0  }
0x12: {  	s17 =	simm.s32 $0x10;
	v7 =	vor.u32 s3, v0;
	[sflag:s10] =	ssyncadd.s32 $0xFFFFD880  }
.LBB2_2:
0x13: {  	p0 =	sne.s32 s17, $0x27F0  }
.Ltmp0:
0x14: {  	_ = 	snop;
	(pc) =	sbr.rel @p0 .LBB2_2-.Ltmp0, $3  }
0x15: {  	_ =	sdelay $0x1  }
0x16: {  	[tilespmem:v7+s11+$0x0] =	vst.idx.msk $0xffff, v1;
	s18 =	smov.u32 s17;
	s17 =	sadd.s32 $0x10, s17  }
0x17: {  	v7 =	vor.u32 s18, v0  }
0x18: {  	_ =	sdelay $0x3  }
0x19: {  	[tilespmem:v7+s11+$0x0] =	vst.idx.msk $0xffff, v1  }
0x1a: {  	[tilespmem:$0x4F80] =	vst v0  }
0x1b: {  	[tilespmem:$0x4F90] =	vst v2  }
0x1c: {  	[tilespmem:$0x4FA0] =	vst v3  }
0x1d: {  	[tilespmem:$0x4FB0] =	vst v4  }
0x1e: {  	[tilespmem:$0x4FC0] =	vst v5  }
0x1f: {  	[spmem:s5] =	stream.linear.scatter [tilespmem:s11], [sflag:$0x1], $0x400, $0x38;
	[tilespmem:$0x5400] =	vst v63  }
0x20: {  	_ =	swait.ge [sflag:s10], $0x400  }
0x21: {  	[sflag:s10] =	ssyncset.done $0x0  }
0x22: {  	s18 =	simm.s32 $0x0;
	s17 =	simm.s32 $0x40;
	[sflag:s10] =	ssyncadd.s32 $0xFFFFFC00  }
.LBB2_4:
0x23: {  	p0 =	sne.s32 s17, $0x9C00;
	v7 =	vld [tilespmem:s18+$0x0];
	_ =	sdelay $0x3  }
.Ltmp1:
0x24: {  	(pc) =	sbr.rel @p0 .LBB2_4-.Ltmp1, $2  }
0x25: {  	_ =	sdelay $0x2  }
0x26: {  	s18 =	sshra.s32 s17, $0x2;
	s17 =	sadd.s32 $0x40, s17;
	[tilespmem:v7+s11+$0x0] =	vst.idx.add.f32.msk $0xffff, v6  }
0x27: {  	v7 =	vld [tilespmem:s18+$0x0];
	_ =	sdelay $0x7  }
0x28: {  	[tilespmem:v7+s11+$0x0] =	vst.idx.add.f32.msk $0xffff, v6  }
0x29: {  	[bflag:$0x0] =	sbarrier.arrive $0xFFFF  }
0x2a: {  	[spmem:s2] =	stream.indirect.scatter.add.f32 [tilespmem:s11], [sflag:$0x1], $0x80, s13, s12, $0xb8;
	[tilespmem:$0x5400] =	vst v63  }
0x2b: {  	_ =	swait.ge [sflag:s10], $0x2800  }
0x2c: {  	s16 =	sadd.s32 $0x1, s16;
	[sflag:s10] =	ssyncset.done $0x0  }
0x2d: {  	p0 =	sne.s32 s16, s7;
	[sflag:s10] =	ssyncadd.s32 $0xFFFFD800  }
.Ltmp2:
0x2e: {  	[bflag:$0x0] =	sbarrier.arrive $0xFFFF;
	(pc) =	sbr.rel @p0 .LBB2_1-.Ltmp2, $4  }
0x2f: {  	[hbm:s6], [sflag:s14] =	dma.local [spmem:s15], $0x80  }
0x30: {  	_ =	swait.ge [sflag:s10], $0x80  }
0x31: {  	[sflag:s10] =	ssyncset.done $0x0  }
0x32: {  	[sflag:s10] =	ssyncadd.s32 $0xFFFFFF80  }
0x33: {  	_ =	sfence.sel $0x180000  }
0x34: {  	[bflag:$0x0] =	sbarrier.arrive $0xFFFF  }
0x35: {  	p0 =	sne.s32 s0, $0x0;
	_ =	strace $0x90000047  }
0x36: {  	s0 =	sadd.s32 @!p0 $0x100000, s1;
	[bflag:$0x2] =	sbarrier.arrive $0xFFFF  }
0x37: {  	[sflag:s0] =	ssyncadd.tile.s32 @!p0 $0x1;
	_ =	shalt  }
.Lfunc_end2:
_tile_overlayer_lowered:
.L_overlay_start_2:
0x38: {  	(tag) =	ssettag $0x2  }
0x39: {  	s0 =	rddreg [dreg:$0x0];
	s2 =	stileid.u32  }
0x3a: {  	s1 =	rddreg [dreg:$0x1];
	p0 =	sne.s32 s2, $0x0  }
0x3b: {  	s3 =	rddreg [dreg:$0x2];
	[bflag:$0x3] =	sbarrier.arrive $0xFFFF;
	s2 =	simm.s32 @!p0 $0x1C01  }
0x3c: {  	[timem:s3], [sflag:s2] =	dma.local @!p0 [hbm:s0], s1  }
0x3d: {  	s0 =	simm.s32 @!p0 $0x1  }
0x3e: {  	_ =	swait.ge @!p0 [sflag:s0], s1  }
0x3f: {  	s1 =	ssub.s32 @!p0 $0x0, s1;
	[sflag:s0] =	ssyncset.done @!p0 $0x0  }
0x40: {  	[sflag:s0] =	ssyncadd.s32 @!p0 s1  }
0x41: {  	[bflag:$0x3] =	sbarrier.arrive $0xFFFF  }
0x42: {  	_ =	shalt  }

// kernel: kernel.9.cloned.1.call-start
scs
__scs_entry_jumppad:
0x0: {  	(pc) =	sbr.rel $0x88, $3  }
0x1: {  	(tag) =	ssettag $0x0;
	lr =	simm.s32 $0x1  }
0x2: {  	[smem:$0x3F9D] =	sst lr;
	_ =	strace $0xD0000000  }
0x3: {  	_ = 	snop  }
0x4: {  	_ = 	snop  }
0x5: {  	_ = 	snop  }
0x6: {  	_ = 	snop  }
0x7: {  	_ = 	snop  }
__scs_overlays_trampoline_lowered:
0x8: {  	[smem:$0x3FAC] =	sst s0  }
0x9: {  	[smem:$0x3FAD] =	sst s1  }
0xa: {  	[smem:$0x3FAE] =	sst s2  }
0xb: {  	[smem:$0x3FAF] =	sst s3  }
0xc: {  	[smem:$0x3FB0] =	sst s4  }
0xd: {  	[smem:$0x3FB1] =	sst s5  }
0xe: {  	[smem:$0x3FB2] =	sst s6  }
0xf: {  	[smem:$0x3FB3] =	sst s7  }
0x10: {  	[smem:$0x3FB4] =	sst s8  }
0x11: {  	[smem:$0x3FB5] =	sst s9;
	s0 =	simm.s32 @!p0 $0x0  }
0x12: {  	s1 =	sld [smem:$0x3F9B];
	s0 =	simm.s32 @p0 $0x1  }
0x13: {  	[smem:$0x3FB6] =	sst s0;
	s0 =	simm.s32 @!p1 $0x0  }
0x14: {  	s2 =	sld [smem:$0x3F9A];
	s0 =	simm.s32 @p1 $0x1  }
0x15: {  	[smem:$0x3FB7] =	sst s0;
	s0 =	simm.s32 @!p2 $0x0  }
0x16: {  	s3 =	sld [smem:$0x3FDB];
	s0 =	simm.s32 @p2 $0x1  }
0x17: {  	s4 =	simm.s32 $0x1BF5;
	[smem:$0x3FB9] =	sst s0  }
0x18: {  	s0 =	sld [smem:$0x3F9C];
	_ =	swait.ge [sflag:s4], $0x0  }
0x19: {  	s7 =	sld [smem:$0x3F9D]  }
0x1a: {  	s8 =	sadd.s32 $0xFFFFE003, lr  }
0x1b: {  	s9 =	sadd.s32 $0xFFFFFEF7, lr;
	s5 =	simm.s32 $0xFFFFFFFF;
	p2 =	slt.u32 s8, $0xFFFFF086  }
0x1c: {  	p1 =	slt.u32 s9, $0xF7A;
	s5 =	simm.s32 @!p2 $0x0  }
0x1d: {  	s5 =	simm.s32 @p1 $0x1;
	p0 =	seq.s32 s7, s2  }
0x1e: {  	s7 =	smul.u32 @!p0 $0xF7A, s2;
	p2 =	seq.s32 @!p0 s5, $0x0  }
0x1f: {  	s9 =	smul.u32 $0xF7A, s1;
	s8 =	simm.s32 @!p0 $0x1BF5;
	p2 =	por !p2, p0  }
0x20: {  	[sflag:s8] =	ssyncset.s32 @!p0 $0xFFFFF086;
	s6 =	sadd.s32 @!p0 s3, s7;
	s7 =	simm.s32 @!p0 $0x108  }
0x21: {  	s3 =	sadd.s32 s3, s9;
	s6 =	sadd.s32 @!p0 $0x88, s6;
	s7 =	simm.s32 @p2 $0x1082  }
0x22: {  	[simem:s7], [sflag:s8] =	dma.local @!p0 [hbm:s6], $0xF7A  }
0x23: {  	s9 =	sor.u32 $0xD0000000, s2;
	s6 =	simm.s32 $0x108;
	_ =	swait.ge @!p0 [sflag:s8], $0x0  }
0x24: {  	s3 =	sadd.s32 $0x88, s3;
	s6 =	simm.s32 @!p1 $0x1082;
	[sflag:s4] =	ssyncset.s32 $0xFFFFF086  }
0x25: {  	[simem:s6], [sflag:s4] =	dma.local [hbm:s3], $0xF7A  }
0x26: {  	[smem:$0x3F9D] =	sst s1;
	(tag) =	ssettag s2;
	_ =	strace s9  }
0x27: {  	s1 =	sld [smem:$0x3FAD]  }
0x28: {  	s2 =	sld [smem:$0x3FAE]  }
0x29: {  	s4 =	sld [smem:$0x3FB0]  }
0x2a: {  	p0 =	seq.s32 s5, $0x0;
	s5 =	sld [smem:$0x3FB1]  }
0x2b: {  	s6 =	sld [smem:$0x3FB2]  }
0x2c: {  	s7 =	sld [smem:$0x3FB3]  }
0x2d: {  	s3 =	simm.s32 $0x108;
	s8 =	sld [smem:$0x3FB4]  }
0x2e: {  	s3 =	simm.s32 @!p0 $0x1082;
	s9 =	sld [smem:$0x3FB5]  }
0x2f: {  	lr =	sadd.s32 s0, s3;
	s0 =	sld [smem:$0x3FAC]  }
0x30: {  	s3 =	sld [smem:$0x3FAF]  }
0x31: {  	[smem:$0x3FB8] =	sst s10  }
0x32: {  	s10 =	sld [smem:$0x3FB6];
	_ =	sdelay $0x3  }
0x33: {  	p0 =	seq.s32 s10, $0x1;
	s10 =	sld [smem:$0x3FB8];
	_ =	sdelay $0x3  }
0x34: {  	[smem:$0x3FB8] =	sst s10  }
0x35: {  	s10 =	sld [smem:$0x3FB7];
	_ =	sdelay $0x3  }
0x36: {  	p1 =	seq.s32 s10, $0x1;
	s10 =	sld [smem:$0x3FB8];
	_ =	sdelay $0x3  }
0x37: {  	[smem:$0x3FB8] =	sst s10  }
0x38: {  	s10 =	sld [smem:$0x3FB9]  }
0x39: {  	_ = 	snop;
	(pc) =	sbr.ind lr, $3  }
0x3a: {  	_ = 	snop  }
0x3b: {  	_ = 	snop  }
0x3c: {  	p2 =	seq.s32 s10, $0x1;
	s10 =	sld [smem:$0x3FB8]  }
0x3d: {  	_ =	shalt  }
0x3e: {  	_ =	shalt  }
0x3f: {  	_ =	shalt  }
0x40: {  	_ =	shalt  }
0x41: {  	_ =	shalt  }
0x42: {  	_ =	shalt  }
0x43: {  	_ =	shalt  }
0x44: {  	_ =	shalt  }
0x45: {  	_ =	shalt  }
0x46: {  	_ =	shalt  }
0x47: {  	_ =	shalt  }
0x48: {  	_ =	shalt  }
0x49: {  	_ =	shalt  }
0x4a: {  	_ =	shalt  }
0x4b: {  	_ =	shalt  }
0x4c: {  	_ =	shalt  }
0x4d: {  	_ =	shalt  }
0x4e: {  	_ =	shalt  }
0x4f: {  	_ =	shalt  }
0x50: {  	_ =	shalt  }
0x51: {  	_ =	shalt  }
0x52: {  	_ =	shalt  }
0x53: {  	_ =	shalt  }
0x54: {  	_ =	shalt  }
0x55: {  	_ =	shalt  }
0x56: {  	_ =	shalt  }
0x57: {  	_ =	shalt  }
0x58: {  	_ =	shalt  }
0x59: {  	_ =	shalt  }
0x5a: {  	_ =	shalt  }
0x5b: {  	_ =	shalt  }
0x5c: {  	_ =	shalt  }
0x5d: {  	_ =	shalt  }
0x5e: {  	_ =	shalt  }
0x5f: {  	_ =	shalt  }
0x60: {  	_ =	shalt  }
0x61: {  	_ =	shalt  }
0x62: {  	_ =	shalt  }
0x63: {  	_ =	shalt  }
0x64: {  	_ =	shalt  }
0x65: {  	_ =	shalt  }
0x66: {  	_ =	shalt  }
0x67: {  	_ =	shalt  }
0x68: {  	_ =	shalt  }
0x69: {  	_ =	shalt  }
0x6a: {  	_ =	shalt  }
0x6b: {  	_ =	shalt  }
0x6c: {  	_ =	shalt  }
0x6d: {  	_ =	shalt  }
0x6e: {  	_ =	shalt  }
0x6f: {  	_ =	shalt  }
0x70: {  	_ =	shalt  }
0x71: {  	_ =	shalt  }
0x72: {  	_ =	shalt  }
0x73: {  	_ =	shalt  }
0x74: {  	_ =	shalt  }
0x75: {  	_ =	shalt  }
0x76: {  	_ =	shalt  }
0x77: {  	_ =	shalt  }
0x78: {  	_ =	shalt  }
0x79: {  	_ =	shalt  }
0x7a: {  	_ =	shalt  }
0x7b: {  	_ =	shalt  }
0x7c: {  	_ =	shalt  }
0x7d: {  	_ =	shalt  }
0x7e: {  	_ =	shalt  }
0x7f: {  	_ =	shalt  }
0x80: {  	_ =	shalt  }
0x81: {  	_ =	shalt  }
0x82: {  	_ =	shalt  }
0x83: {  	_ =	shalt  }
0x84: {  	_ =	shalt  }
0x85: {  	_ =	shalt  }
0x86: {  	_ =	shalt  }
0x87: {  	_ =	shalt  }
.Lfunc_end0:
.L_simem_size_0:
called_computation.1_lowered:
.L_overlay_start_0:
0x88: {  	s2 =	sld [smem:$0x3FD9]  }
0x89: {  	s3 =	sld [smem:$0x3FFE];
	_ =	sdelay $0x1  }
0x8a: {  	s1 =	srdreg.scid  }
0x8b: {  	s0 =	sand.u32 $0x1, s1  }
0x8c: {  	s17 =	sshll.u32 s0, $0xA;
	s2 =	sadd.s32 s3, s2  }
0x8d: {  	s2 =	sadd.s32 s2, s17  }
0x8e: {  	[smem:$0x3FC4] =	sst s2  }
0x8f: {  	_ = 	snop  }
0x90: {  	s2 =	sld [smem:$0x3FD0];
	(tm) =	ssettm $0x1  }
0x91: {  	s18 =	sld [smem:$0x3FFB];
	_ =	sdelay $0x3  }
0x92: {  	_ =	strace s18  }
0x93: {  	s3 =	sld [smem:$0x3FFC];
	_ =	sdelay $0x3  }
0x94: {  	_ =	strace s3  }
0x95: {  	s3 =	sld [smem:$0x3FFD];
	_ =	sdelay $0x3  }
0x96: {  	_ =	strace s3  }
0x97: {  	_ =	strace $0x8FFFFFFF  }
0x98: {  	s19 =	sld [smem:$0x3FDB];
	_ =	sdelay $0x1  }
0x99: {  	s4 =	simm.s32 $_scs_section_size  }
0x9a: {  	s5 =	simm.s32 $_size__tile_overlayer_lowered;
	s6 =	simm.s32 $_tile_overlayer_lowered  }
0x9b: {  	s22 =	simm.s32 $0x1BFF;
	s21 =	sshll.u32 s6, $0x1;
	s3 =	sadd.s32 s4, s19  }
0x9c: {  	s7 =	simm.s32 $0x0;
	s20 =	sshll.u32 s5, $0x1;
	s5 =	sadd.s32 s21, s3  }
0x9d: {  	[timem:s7], [sflag:s22] =	dma.local [hbm:s5], s20  }
0x9e: {  	_ =	swait.ge [sflag:s22], s20  }
0x9f: {  	s4 =	ssub.s32 $0x0, s20;
	[sflag:s22] =	ssyncset.done $0x0  }
0xa0: {  	[sflag:s22] =	ssyncadd.s32 s4;
	_ =	sdelay $0x1  }
0xa1: {  	s23 =	simm.s32 $0x1B8B  }
0xa2: {  	_ =	swait.ge [sflag:s23], $0x1  }
0xa3: {  	[sflag:s23] =	ssyncset.done $0x0  }
0xa4: {  	s25 =	simm.s32 $0x1B8E;
	s24 =	sld [smem:$0x3FFE];
	[sflag:s23] =	ssyncadd.s32 $0xFFFFFFFF  }
0xa5: {  	s26 =	simm.s32 $execute0_lowered;
	[smem:$0x3FD2] =	sst s25  }
0xa6: {  	s5 =	sshll.u32 s26, $0x1;
	_ =	strace $0x80000049;
	[dreg:$0x1] =	wrdreg $0xFFFFFFFF  }
0xa7: {  	s28 =	simm.s32 $_size_execute0_lowered;
	s3 =	sadd.s32 s3, s5;
	[dreg:$0x0] =	wrdreg $0x0  }
0xa8: {  	s5 =	sshll.u32 s28, $0x1;
	[dreg:$0x2] =	wrdreg s3  }
0xa9: {  	[dreg:$0x3] =	wrdreg s5  }
0xaa: {  	[dreg:$0x4] =	wrdreg $0xC0  }
0xab: {  	_ =	task [dreg:s7], $0x5FFFF  }
0xac: {  	[dreg:$0x1] =	wrdreg $0xFFFFFFFF  }
0xad: {  	[dreg:$0x0] =	wrdreg $0x60  }
0xae: {  	[dreg:$0x2] =	wrdreg s24  }
0xaf: {  	[dreg:$0x3] =	wrdreg s2  }
0xb0: {  	[dreg:$0x4] =	wrdreg $0xA8000  }
0xb1: {  	[dreg:$0x5] =	wrdreg $0x9  }
0xb2: {  	_ =	task.clear_ibuf [dreg:s7], $0x6FFFF;
	_ =	strace $0x90000049  }
0xb3: {  	s29 =	simm.s32 $0x9;
	_ =	strace $0x8000004B  }
0xb4: {  	_ =	swait.ge [sflag:s29], $0x1  }
0xb5: {  	[sflag:s29] =	ssyncadd.s32 $0xFFFFFFFF  }
0xb6: {  	_ =	strace $0x9000004B  }
0xb7: {  	_ =	sfence  }
0xb8: {  	s30 =	sld [smem:$0x0];
	_ =	sdelay $0x2  }
0xb9: {  	s31 =	sshll.u32 s1, $0xD;
	s1 =	sshrl.u32 s1, $0x2  }
0xba: {  	s3 =	sand.u32 $0x4000, s31;
	s1 =	sadd.s32 s1, s30  }
0xbb: {  	s0 =	sor.u32 s3, s0;
	s1 =	sshll.u32 s1, $0x11  }
0xbc: {  	s0 =	sor.u32 s1, s0  }
0xbd: {  	s0 =	sadd.s32 $0x8F2B, s0  }
0xbe: {  	[sflag:s0] =	ssyncadd.remote.s32 $0x1  }
0xbf: {  	_ =	sfence.sel $0xFFFF  }
0xc0: {  	[dreg:$0x0] =	wrdreg $0xFFFFFFFF;
	(pc) =	sbr.abs _section_cstart, $3  }
0xc1: {  	[dreg:$0x1] =	wrdreg $0xFFFFFFFF  }
0xc2: {  	_ =	task.clear_ibuf [dreg:s7], $0x2FFFF;
	_ =	strace $0x9FFFFFFF  }
0xc3: {  	(tm) =	ssettm $0x7FFFFFFF  }
tec
execute0_lowered:
.L_overlay_start_1:
0x0: {  	(tag) =	ssettag $0x1  }
0x1: {  	s5 =	rddreg [dreg:$0x0]  }
0x2: {  	s6 =	rddreg [dreg:$0x1]  }
0x3: {  	s1 =	rddreg [dreg:$0x2]  }
0x4: {  	s0 =	rddreg [dreg:$0x3];
	s3 =	simm.s32 $0x0;
	s2 =	srdreg.scid  }
0x5: {  	s17 =	simm.s32 $0x1;
	s18 =	simm.s32 $0x4000;
	s19 =	simm.s32 $0x8000  }
0x6: {  	s20 =	simm.s32 $0x50;
	[smem:$0x7FF] =	sst s3;
	s7 =	sand.u32 $0x1, s2  }
0x7: {  	s23 =	simm.s32 $0x0;
	s2 =	stileid.u32;
	s8 =	smul.u32 $0x140000, s7  }
0x8: {  	s4 =	sadd.s32 $0x1C200, s5;
	_ =	strace $0x8000004A;
	s9 =	smul.u32 $0x14000, s2  }
0x9: {  	s10 =	sshll.u32 s7, $0xF;
	s11 =	sshll.u32 s2, $0xB;
	s29 =	smul.u32 $0x50000, s2  }
0xa: {  	s7 =	ssub.s32 $0x2, s7;
	s21 =	sshll.u32 s2, $0x6;
	s10 =	sor.u32 s11, s10  }
0xb: {  	s30 =	sshrl.u32 s7, $0x1;
	s21 =	sor.u32 $0x1C01, s21;
	s8 =	sadd.s32 s9, s8  }
0xc: {  	s11 =	sadd.s32 s10, s5;
	s31 =	sshrl.u32 s29, $0x2;
	s16 =	ssub.s32 s7, s30  }
0xd: {  	s8 =	sshrl.u32 s8, $0x3;
	s7 =	sadd.s32 $0xC200, s11;
	s16 =	smax.u32 s16, $0x1  }
0xe: {  	s15 =	sadd.s32 s8, s5;
	s5 =	sadd.s32 s6, s10;
	s6 =	sadd.s32 s31, s1  }
0xf: {  	s8 =	sadd.s32 $0x2800, s6;
	s9 =	sadd.s32 $0x5000, s6;
	s10 =	sadd.s32 $0x7800, s6  }
0x10: {  	s11 =	sadd.s32 $0xA000, s6;
	s12 =	sadd.s32 $0xC800, s6;
	s13 =	sadd.s32 $0xF000, s6  }
0x11: {  	v0 =	vimm.f32 $0.0e+00;
	s14 =	sadd.s32 $0x11800, s6;
	s15 =	sadd.s32 $0x44200, s15;
	s22 =	sshrl.u32 s6, $0x3  }
.LBB2_1:
0x12: {  	[tilespmem:s3], [sflag:$0x1] =	stream.linear.gather [hbm4b:s5+s3], $0x3E80, $0x38;
	[tilespmem:$0x1E800] =	vst v63  }
0x13: {  	_ =	swait.ge [sflag:s17], $0x3E80  }
0x14: {  	[sflag:s17] =	ssyncset.done $0x0  }
0x15: {  	[sflag:s17] =	ssyncadd.s32 $0xFFFFC180  }
0x16: {  	[tilespmem:s18], [sflag:$0x1] =	stream.linear.gather [hbm4b:s7+s3], $0x3E80, $0x38;
	[tilespmem:$0x1E800] =	vst v63  }
0x17: {  	s24 =	sand.u32 $0xFE00, s3;
	s25 =	sand.u32 $0x70, s3;
	_ =	swait.ge [sflag:s17], $0x3E80  }
0x18: {  	s26 =	sshrl.u32 s24, $0x2;
	s24 =	simm.s32 $0x40;
	[sflag:s17] =	ssyncset.done $0x0  }
0x19: {  	s26 =	sor.u32 s25, s26;
	s25 =	simm.s32 $0x0;
	[sflag:s17] =	ssyncadd.s32 $0xFFFFC180  }
.LBB2_2:
0x1a: {  	p0 =	sne.s32 s24, $0x9FC0  }
0x1b: {  	[tilespmem:s26+$0x8000] =	vst v0;
	s25 =	sadd.s32 $0x10, s25;
	s26 =	smov.u32 s24;
	s24 =	sadd.s32 $0x40, s24  }
.Ltmp0:
0x1c: {  	(pc) =	sbr.rel @p0 .LBB2_2-.Ltmp0, $4  }
0x1d: {  	_ = 	snop  }
0x1e: {  	s26 =	sand.u32 $0xFE00, s26  }
0x1f: {  	s28 =	sand.u32 $0x70, s25;
	s26 =	sshrl.u32 s26, $0x2  }
0x20: {  	s26 =	sor.u32 s28, s26  }
0x21: {  	[tilespmem:s26+$0x8000] =	vst v0  }
0x22: {  	[spmem:s6] =	stream.linear.scatter [tilespmem:s19], [sflag:$0x1], $0x2800, $0x38;
	[tilespmem:$0x1E800] =	vst v63  }
0x23: {  	_ =	swait.ge [sflag:s17], $0x2800  }
0x24: {  	[sflag:s17] =	ssyncset.done $0x0  }
0x25: {  	[sflag:s17] =	ssyncadd.s32 $0xFFFFD800  }
0x26: {  	[spmem:s8] =	stream.linear.scatter [tilespmem:s19], [sflag:$0x1], $0x2800, $0x38;
	[tilespmem:$0x1E800] =	vst v63  }
0x27: {  	_ =	swait.ge [sflag:s17], $0x2800  }
0x28: {  	[sflag:s17] =	ssyncset.done $0x0  }
0x29: {  	[sflag:s17] =	ssyncadd.s32 $0xFFFFD800  }
0x2a: {  	[spmem:s9] =	stream.linear.scatter [tilespmem:s19], [sflag:$0x1], $0x2800, $0x38;
	[tilespmem:$0x1E800] =	vst v63  }
0x2b: {  	_ =	swait.ge [sflag:s17], $0x2800  }
0x2c: {  	[sflag:s17] =	ssyncset.done $0x0  }
0x2d: {  	[sflag:s17] =	ssyncadd.s32 $0xFFFFD800  }
0x2e: {  	[spmem:s10] =	stream.linear.scatter [tilespmem:s19], [sflag:$0x1], $0x2800, $0x38;
	[tilespmem:$0x1E800] =	vst v63  }
0x2f: {  	_ =	swait.ge [sflag:s17], $0x2800  }
0x30: {  	[sflag:s17] =	ssyncset.done $0x0  }
0x31: {  	[sflag:s17] =	ssyncadd.s32 $0xFFFFD800  }
0x32: {  	[spmem:s11] =	stream.linear.scatter [tilespmem:s19], [sflag:$0x1], $0x2800, $0x38;
	[tilespmem:$0x1E800] =	vst v63  }
0x33: {  	_ =	swait.ge [sflag:s17], $0x2800  }
0x34: {  	[sflag:s17] =	ssyncset.done $0x0  }
0x35: {  	[sflag:s17] =	ssyncadd.s32 $0xFFFFD800  }
0x36: {  	[spmem:s12] =	stream.linear.scatter [tilespmem:s19], [sflag:$0x1], $0x2800, $0x38;
	[tilespmem:$0x1E800] =	vst v63  }
0x37: {  	_ =	swait.ge [sflag:s17], $0x2800  }
0x38: {  	[sflag:s17] =	ssyncset.done $0x0  }
0x39: {  	[sflag:s17] =	ssyncadd.s32 $0xFFFFD800  }
0x3a: {  	[spmem:s13] =	stream.linear.scatter [tilespmem:s19], [sflag:$0x1], $0x2800, $0x38;
	[tilespmem:$0x1E800] =	vst v63  }
0x3b: {  	_ =	swait.ge [sflag:s17], $0x2800  }
0x3c: {  	[sflag:s17] =	ssyncset.done $0x0  }
0x3d: {  	[sflag:s17] =	ssyncadd.s32 $0xFFFFD800  }
0x3e: {  	[spmem:s14] =	stream.linear.scatter [tilespmem:s19], [sflag:$0x1], $0x2800, $0x38;
	[tilespmem:$0x1E800] =	vst v63  }
0x3f: {  	_ =	swait.ge [sflag:s17], $0x2800  }
0x40: {  	[sflag:s17] =	ssyncset.done $0x0  }
0x41: {  	[sflag:s17] =	ssyncadd.s32 $0xFFFFD800  }
0x42: {  	s24 =	simm.s32 $0x0;
	[bflag:$0x0] =	sbarrier.arrive $0xFFFF  }
0x43: {  	[tilespmem:s19], [sflag:$0x1] =	stream.indirect.gather [hbm4b:s4+s20], $0x80, s24, s20, $0xb8;
	[tilespmem:$0x1E800] =	vst v63  }
0x44: {  	_ =	swait.ge [sflag:s17], $0x2800  }
0x45: {  	[sflag:s17] =	ssyncset.done $0x0  }
0x46: {  	s31 =	simm.s32 $0x4000;
	[sflag:s17] =	ssyncadd.s32 $0xFFFFD800  }
0x47: {  	[spmem:s1] =	stream.indirect.scatter.add.f32 [tilespmem:s19], [sflag:$0x1], $0x80, s31, s20, $0xb8;
	[tilespmem:$0x1E800] =	vst v63  }
0x48: {  	_ =	swait.ge [sflag:s17], $0x2800  }
0x49: {  	s25 =	simm.s32 $0x400;
	s24 =	simm.s32 $0x200;
	[sflag:s17] =	ssyncset.done $0x0  }
.LBB2_4:
0x4a: {  	s26 =	sshra.s32 s24, $0x2  }
0x4b: {  	[sflag:s17] =	ssyncadd.s32 $0xFFFFD800;
	s24 =	smov.u32 s25;
	s28 =	sadd.s32 $0x200, s25  }
0x4c: {  	[tilespmem:s19], [sflag:$0x1] =	stream.indirect.gather [hbm4b:s4+s20], $0x80, s26, s20, $0xb8;
	[tilespmem:$0x1E800] =	vst v63  }
0x4d: {  	p0 =	sne.s32 s25, $0xF800;
	_ =	swait.ge [sflag:s17], $0x2800  }
.Ltmp1:
0x4e: {  	[sflag:s17] =	ssyncset.done $0x0;
	(pc) =	sbr.rel @p0 .LBB2_4-.Ltmp1, $4  }
0x4f: {  	s25 =	sadd.s32 $0x4000, s26;
	[sflag:s17] =	ssyncadd.s32 $0xFFFFD800  }
0x50: {  	[spmem:s1] =	stream.indirect.scatter.add.f32 [tilespmem:s19], [sflag:$0x1], $0x80, s25, s20, $0xb8;
	[tilespmem:$0x1E800] =	vst v63  }
0x51: {  	_ =	swait.ge [sflag:s17], $0x2800  }
0x52: {  	s25 =	smov.u32 s28;
	[sflag:s17] =	ssyncset.done $0x0  }
0x53: {  	s24 =	sshra.s32 s24, $0x2;
	[sflag:s17] =	ssyncadd.s32 $0xFFFFD800  }
0x54: {  	[tilespmem:s19], [sflag:$0x1] =	stream.indirect.gather [hbm4b:s4+s20], $0x80, s24, s20, $0xb8;
	[tilespmem:$0x1E800] =	vst v63  }
0x55: {  	_ =	swait.ge [sflag:s17], $0x2800  }
0x56: {  	[sflag:s17] =	ssyncset.done $0x0  }
0x57: {  	s24 =	sadd.s32 $0x4000, s24;
	[sflag:s17] =	ssyncadd.s32 $0xFFFFD800  }
0x58: {  	[spmem:s1] =	stream.indirect.scatter.add.f32 [tilespmem:s19], [sflag:$0x1], $0x80, s24, s20, $0xb8;
	[tilespmem:$0x1E800] =	vst v63  }
0x59: {  	_ =	swait.ge [sflag:s17], $0x2800  }
0x5a: {  	s23 =	sadd.s32 $0x1, s23;
	[sflag:s17] =	ssyncset.done $0x0  }
0x5b: {  	p0 =	sne.s32 s23, s16;
	[sflag:s17] =	ssyncadd.s32 $0xFFFFD800  }
.Ltmp2:
0x5c: {  	[bflag:$0x0] =	sbarrier.arrive $0xFFFF;
	(pc) =	sbr.rel @p0 .LBB2_1-.Ltmp2, $4  }
0x5d: {  	[hbm:s15], [sflag:s21] =	dma.local [spmem:s22], $0x2800  }
0x5e: {  	_ =	swait.ge [sflag:s17], $0x2800  }
0x5f: {  	[sflag:s17] =	ssyncset.done $0x0  }
0x60: {  	[sflag:s17] =	ssyncadd.s32 $0xFFFFD800  }
0x61: {  	_ =	sfence.sel $0x180000  }
0x62: {  	[bflag:$0x0] =	sbarrier.arrive $0xFFFF  }
0x63: {  	p0 =	sne.s32 s2, $0x0;
	_ =	strace $0x9000004A  }
0x64: {  	s0 =	sadd.s32 @!p0 $0x100000, s0;
	[bflag:$0x2] =	sbarrier.arrive $0xFFFF  }
0x65: {  	[sflag:s0] =	ssyncadd.tile.s32 @!p0 $0x1;
	_ =	shalt  }
.Lfunc_end2:
_tile_overlayer_lowered:
.L_overlay_start_2:
0x66: {  	(tag) =	ssettag $0x2  }
0x67: {  	s0 =	rddreg [dreg:$0x0];
	s2 =	stileid.u32  }
0x68: {  	s1 =	rddreg [dreg:$0x1];
	p0 =	sne.s32 s2, $0x0  }
0x69: {  	s3 =	rddreg [dreg:$0x2];
	[bflag:$0x3] =	sbarrier.arrive $0xFFFF;
	s2 =	simm.s32 @!p0 $0x1C01  }
0x6a: {  	[timem:s3], [sflag:s2] =	dma.local @!p0 [hbm:s0], s1  }
0x6b: {  	s0 =	simm.s32 @!p0 $0x1  }
0x6c: {  	_ =	swait.ge @!p0 [sflag:s0], s1  }
0x6d: {  	s1 =	ssub.s32 @!p0 $0x0, s1;
	[sflag:s0] =	ssyncset.done @!p0 $0x0  }
0x6e: {  	[sflag:s0] =	ssyncadd.s32 @!p0 s1  }
0x6f: {  	[bflag:$0x3] =	sbarrier.arrive $0xFFFF  }
0x70: {  	_ =	shalt  }

</sc_bundles>
